<compile_context>
chip_gen: v7x
topology: tpu7x:2x2x1
jax: 0.10.2.dev20260603
libtpu: 0.0.44.dev20260713+nightly
codegen_flags: <defaults>
</compile_context>

<pallas_src>
import functools

import jax
import jax.numpy as jnp
from jax import lax
from jax.experimental import pallas as pl
from jax.experimental.pallas import tpu as pltpu
from jax.experimental.pallas import tpu_sc as plsc

N_NODES = 10000
N_EDGES = 320000
D = 128

NC = 2
NS = 16
NW = NC * NS

CH = 128
EPT = N_EDGES // NW
CHUNKS = 79
EPT_PAD = CHUNKS * CH
NP = 10112
ROWS_PT = NP // NS

DEG_W = D


@functools.cache
def _sc_kernels():
    mesh = plsc.VectorSubcoreMesh(
        core_axis_name="c", subcore_axis_name="s",
        num_cores=NC, num_subcores=NS)

    @functools.partial(
        pl.kernel,
        out_type=jax.ShapeDtypeStruct((NC, NP, DEG_W), jnp.float32),
        mesh=mesh,
        scratch_types=[
            pltpu.VMEM((CHUNKS, CH), jnp.int32),
            pltpu.VMEM((CH, DEG_W), jnp.float32),
            pltpu.VMEM_SHARED((NP, DEG_W), jnp.float32),
        ],
    )
    def deg_kernel(dst_hbm, ones_hbm, zeros_hbm, out_hbm,
                   dst_v, ones_v, hist_sh):
        c = lax.axis_index("c")
        s = lax.axis_index("s")
        wid = c * NS + s
        pltpu.sync_copy(zeros_hbm.at[pl.ds(s * ROWS_PT, ROWS_PT)],
                        hist_sh.at[pl.ds(s * ROWS_PT, ROWS_PT)])
        pltpu.sync_copy(ones_hbm, ones_v)
        pltpu.sync_copy(dst_hbm.at[wid], dst_v)
        plsc.subcore_barrier()

        def body(j, carry):
            pltpu.sync_copy(ones_v, hist_sh.at[dst_v.at[j]], add=True)
            return carry

        lax.fori_loop(0, CHUNKS, body, 0)
        plsc.subcore_barrier()
        pltpu.sync_copy(hist_sh.at[pl.ds(s * ROWS_PT, ROWS_PT)],
                        out_hbm.at[c, pl.ds(s * ROWS_PT, ROWS_PT)])

    @functools.partial(
        pl.kernel,
        out_type=jax.ShapeDtypeStruct((NC, NP, D), jnp.float32),
        mesh=mesh,
        scratch_types=[
            pltpu.VMEM((CHUNKS, CH), jnp.int32),
            pltpu.VMEM((CHUNKS, CH), jnp.int32),
            pltpu.VMEM((CH, D), jnp.float32),
            pltpu.VMEM_SHARED((NP, D), jnp.float32),
            pltpu.SemaphoreType.DMA,
        ],
    )
    def agg_kernel(y_hbm, src_hbm, dst_hbm, zeros_hbm, out_hbm,
                   src_v, dst_v, rows_v, z_sh, sem):
        c = lax.axis_index("c")
        s = lax.axis_index("s")
        wid = c * NS + s
        pltpu.sync_copy(zeros_hbm.at[pl.ds(s * ROWS_PT, ROWS_PT)],
                        z_sh.at[pl.ds(s * ROWS_PT, ROWS_PT)])
        pltpu.sync_copy(src_hbm.at[wid], src_v)
        pltpu.sync_copy(dst_hbm.at[wid], dst_v)
        plsc.subcore_barrier()

        def body(j, carry):
            pltpu.async_copy(y_hbm.at[src_v.at[j]], rows_v, sem).wait()
            pltpu.sync_copy(rows_v, z_sh.at[dst_v.at[j]], add=True)
            return carry

        lax.fori_loop(0, CHUNKS, body, 0)
        plsc.subcore_barrier()
        pltpu.sync_copy(z_sh.at[pl.ds(s * ROWS_PT, ROWS_PT)],
                        out_hbm.at[c, pl.ds(s * ROWS_PT, ROWS_PT)])

    return deg_kernel, agg_kernel


def _tc1_body(x_ref, w_ref, hist_ref, y_ref, dinv_ref):
    deg = 1.0 + hist_ref[0, :, 0:1] + hist_ref[1, :, 0:1]
    dinv = lax.rsqrt(deg)
    y = jnp.dot(x_ref[...], w_ref[...], preferred_element_type=jnp.float32)
    y_ref[...] = y * dinv
    dinv_ref[...] = dinv


def _tc1(x_pad, w1, hist):
    return pl.pallas_call(
        _tc1_body,
        out_shape=(jax.ShapeDtypeStruct((NP, D), jnp.float32),
                   jax.ShapeDtypeStruct((NP, 1), jnp.float32)),
    )(x_pad, w1, hist)


def _tc2_body(zp_ref, y_ref, dinv_ref, w_ref, b_ref, y2_ref):
    dinv = dinv_ref[...]
    h = dinv * (zp_ref[0] + zp_ref[1] + y_ref[...]) + b_ref[...]
    h = jnp.maximum(h, 0.0)
    rows = lax.broadcasted_iota(jnp.int32, (NP, D), 0)
    h = jnp.where(rows < N_NODES, h, 0.0)
    y2 = jnp.dot(h, w_ref[...], preferred_element_type=jnp.float32)
    y2_ref[...] = y2 * dinv


def _tc2(zp, y1, dinv, w2, b1):
    return pl.pallas_call(
        _tc2_body,
        out_shape=jax.ShapeDtypeStruct((NP, D), jnp.float32),
    )(zp, y1, dinv, w2, b1)


def _tc3_body(zp_ref, y_ref, dinv_ref, b_ref, fw1_ref, fb1_ref,
              fw2_ref, fb2_ref, p1_ref, p2_ref):
    h = dinv_ref[...] * (zp_ref[0] + zp_ref[1] + y_ref[...]) + b_ref[...]
    h = jnp.maximum(h, 0.0)
    rows = lax.broadcasted_iota(jnp.int32, (NP, D), 0)
    h = jnp.where(rows < N_NODES, h, 0.0)
    hbar = jnp.sum(h, axis=0, keepdims=True) * (1.0 / N_NODES)
    l1 = jnp.dot(hbar, fw1_ref[...], preferred_element_type=jnp.float32) + fb1_ref[...]
    l2 = jnp.dot(hbar, fw2_ref[...], preferred_element_type=jnp.float32) + fb2_ref[...]
    e1 = jnp.exp(l1 - jnp.max(l1, axis=-1, keepdims=True))
    e2 = jnp.exp(l2 - jnp.max(l2, axis=-1, keepdims=True))
    p1_ref[...] = e1 / jnp.sum(e1, axis=-1, keepdims=True)
    p2_ref[...] = e2 / jnp.sum(e2, axis=-1, keepdims=True)


def _tc3(zp, y2, dinv, b2, fw1, fb1, fw2, fb2):
    return pl.pallas_call(
        _tc3_body,
        out_shape=(jax.ShapeDtypeStruct((1, 64), jnp.float32),
                   jax.ShapeDtypeStruct((1, 32), jnp.float32)),
    )(zp, y2, dinv, b2, fw1, fb1, fw2, fb2)


def kernel(x, edge_index, W1, b1, W2, b2, fcW1, fcb1, fcW2, fcb2):
    src = edge_index[0].astype(jnp.int32)
    dst = edge_index[1].astype(jnp.int32)
    pad = jnp.full((NW, EPT_PAD - EPT), N_NODES, jnp.int32)
    src3 = jnp.concatenate([src.reshape(NW, EPT), pad], axis=1).reshape(NW, CHUNKS, CH)
    dst3 = jnp.concatenate([dst.reshape(NW, EPT), pad], axis=1).reshape(NW, CHUNKS, CH)

    x_pad = jnp.zeros((NP, D), jnp.float32).at[:N_NODES].set(x)
    onesW = jnp.ones((CH, DEG_W), jnp.float32)
    zerosD = jnp.zeros((NP, D), jnp.float32)

    deg_kernel, agg_kernel = _sc_kernels()
    hist = deg_kernel(dst3, onesW, zerosD)
    y1, dinv = _tc1(x_pad, W1, hist)
    zp1 = agg_kernel(y1, src3, dst3, zerosD)
    y2 = _tc2(zp1, y1, dinv, W2, b1.reshape(1, D))
    zp2 = agg_kernel(y2, src3, dst3, zerosD)
    p1, p2 = _tc3(zp2, y2, dinv, b2.reshape(1, D),
                  fcW1, fcb1.reshape(1, 64), fcW2, fcb2.reshape(1, 32))
    return (p1.reshape(64), p2.reshape(32))

# --- scband reference (transcript-rebuilt; emitter-appended) ---
"""Pipeline reference for scband-pose-gnn-59047210385938 (READ-ONLY COPY).

The authoritative reference and input builder live on the scoring server;
editing this copy changes nothing except your own understanding.
"""

import jax, jax.numpy as jnp
import numpy as np

N_NODES = 10000
N_EDGES = 320000
D_IN = 128
D_HID = 128
D_OUT1 = 64
D_OUT2 = 32


def setup_inputs(seed: int = 0) -> dict:
    key = jax.random.key(seed)
    ks = jax.random.split(key, 12)
    x = jax.random.normal(ks[0], (N_NODES, D_IN), dtype=jnp.float32)
    edge_index = jax.random.randint(ks[1], (2, N_EDGES), 0, N_NODES, dtype=jnp.int64)
    s1 = 1.0 / np.sqrt(D_IN)
    s2 = 1.0 / np.sqrt(D_HID)
    W1 = jax.random.uniform(ks[2], (D_IN, D_HID), dtype=jnp.float32, minval=-s1, maxval=s1)
    b1 = jnp.zeros((D_HID,), dtype=jnp.float32)
    W2 = jax.random.uniform(ks[3], (D_HID, D_HID), dtype=jnp.float32, minval=-s2, maxval=s2)
    b2 = jnp.zeros((D_HID,), dtype=jnp.float32)
    fcW1 = jax.random.uniform(ks[4], (D_HID, D_OUT1), dtype=jnp.float32, minval=-s2, maxval=s2)
    fcb1 = jax.random.uniform(ks[5], (D_OUT1,), dtype=jnp.float32, minval=-s2, maxval=s2)
    fcW2 = jax.random.uniform(ks[6], (D_HID, D_OUT2), dtype=jnp.float32, minval=-s2, maxval=s2)
    fcb2 = jax.random.uniform(ks[7], (D_OUT2,), dtype=jnp.float32, minval=-s2, maxval=s2)
    return {"x": x, "edge_index": edge_index, "W1": W1, "b1": b1, "W2": W2, "b2": b2,
            "fcW1": fcW1, "fcb1": fcb1, "fcW2": fcW2, "fcb2": fcb2}


def _gcn_conv(x, edge_index, W, b, num_nodes):
    # GCNConv with self-loops and symmetric normalization (PyG default)
    loop = jnp.arange(num_nodes, dtype=edge_index.dtype)
    src = jnp.concatenate([edge_index[0], loop])
    dst = jnp.concatenate([edge_index[1], loop])
    deg = jnp.zeros((num_nodes,), dtype=x.dtype).at[dst].add(1.0)
    dinv = jnp.where(deg > 0, jax.lax.rsqrt(deg), 0.0)
    norm = dinv[src] * dinv[dst]
    xw = x @ W
    msg = jnp.take(xw, src, axis=0) * norm[:, None]
    out = jnp.zeros_like(xw).at[dst].add(msg)
    return out + b


def reference(x, edge_index, W1, b1, W2, b2, fcW1, fcb1, fcW2, fcb2):
    n = x.shape[0]
    h = jax.nn.relu(_gcn_conv(x, edge_index, W1, b1, n))
    h = jax.nn.relu(_gcn_conv(h, edge_index, W2, b2, n))
    h = h.mean(axis=0)
    logits1 = h @ fcW1 + fcb1
    logits2 = h @ fcW2 + fcb2
    probs1 = jax.nn.softmax(logits1, axis=-1)
    probs2 = jax.nn.softmax(logits2, axis=-1)
    return (probs1, probs2)

if __name__ == "__main__":
    import jax
    _d = setup_inputs()
    print(jax.jit(kernel)(*tuple(_d.values())))

</pallas_src>

<mosaic_0001>
#map = affine_map<(d0, d1) -> (0, 0)>
#map1 = affine_map<(d0, d1) -> (0, 0, 0)>
module attributes {stable_mosaic.version = 14 : i64} {
  func.func @agg_kernel(%arg0: i32, %arg1: i32, %arg2: memref<10112x128xf32, #tpu.memory_space<hbm>>, %arg3: memref<32x79x128xi32, #tpu.memory_space<hbm>>, %arg4: memref<32x79x128xi32, #tpu.memory_space<hbm>>, %arg5: memref<10112x128xf32, #tpu.memory_space<hbm>>, %arg6: memref<2x10112x128xf32, #tpu.memory_space<hbm>>, %arg7: memref<79x128xi32, #tpu.memory_space<vmem>>, %arg8: memref<79x128xi32, #tpu.memory_space<vmem>>, %arg9: memref<128x128xf32, #tpu.memory_space<vmem>>, %arg10: memref<10112x128xf32, #tpu.memory_space<vmem_shared>>, %arg11: memref<!tpu.dma_semaphore, #tpu.memory_space<semaphore_mem>>) attributes {dimension_semantics = [#tpu.dimension_semantics<core_parallel>, #tpu.dimension_semantics<subcore_parallel>], iteration_bounds = array<i64: 2, 16>, scalar_prefetch = 0 : i64, scratch_operands = 5 : i64, tpu.core_type = #tpu.core_type<sc_vector_subcore>, window_params = [{transform_indices = #map}, {transform_indices = #map1}, {transform_indices = #map1}, {transform_indices = #map}, {transform_indices = #map1}]} {
    %mul3A = arith.constant 16 : i32
    %mul3A_0 = arith.muli %arg0, %mul3A : i32
    %add3A = arith.addi %mul3A_0, %arg1 : i32
    %mul3A_1 = arith.constant 632 : i32
    %mul3A_2 = arith.muli %arg1, %mul3A_1 : i32
    %mul3A_3 = arith.constant 632 : i32
    %mul3A_4 = arith.muli %arg1, %mul3A_3 : i32
    "tpu.region"() ({
      %run_scoped3A = tpu.sem_alloc : memref<!tpu.dma_semaphore, #tpu.memory_space<semaphore_mem>>
      %dma_start3A = arith.constant 0 : i32
      %dma_start3A_15 = tpu.memref_slice %arg10[%mul3A_4, %dma_start3A] : memref<10112x128xf32, #tpu.memory_space<vmem_shared>> -> memref<632x128xf32, #tpu.memory_space<vmem_shared>>
      %dma_start3A_16 = arith.constant 0 : i32
      %dma_start3A_17 = tpu.memref_slice %arg5[%mul3A_2, %dma_start3A_16] : memref<10112x128xf32, #tpu.memory_space<hbm>> -> memref<632x128xf32, #tpu.memory_space<hbm>>
      tpu.enqueue_dma source(%dma_start3A_17 : memref<632x128xf32, #tpu.memory_space<hbm>>) target(%dma_start3A_15 : memref<632x128xf32, #tpu.memory_space<vmem_shared>>) target_semaphore(%run_scoped3A : memref<!tpu.dma_semaphore, #tpu.memory_space<semaphore_mem>>)
      %dma_wait3A = arith.constant 0 : i32
      %dma_wait3A_18 = tpu.memref_slice %arg10[%mul3A_4, %dma_wait3A] : memref<10112x128xf32, #tpu.memory_space<vmem_shared>> -> memref<632x128xf32, #tpu.memory_space<vmem_shared>>
      %dma_wait3A_19 = arith.constant 0 : i32
      %dma_wait3A_20 = tpu.memref_slice %arg5[%mul3A_2, %dma_wait3A_19] : memref<10112x128xf32, #tpu.memory_space<hbm>> -> memref<632x128xf32, #tpu.memory_space<hbm>>
      tpu.wait_dma2 semaphore(%run_scoped3A : memref<!tpu.dma_semaphore, #tpu.memory_space<semaphore_mem>>) src(%dma_wait3A_20 : memref<632x128xf32, #tpu.memory_space<hbm>>) dst(%dma_wait3A_18 : memref<632x128xf32, #tpu.memory_space<vmem_shared>>)
      tpu.yield
    }) : () -> ()
    "tpu.region"() ({
      %run_scoped3A = tpu.sem_alloc : memref<!tpu.dma_semaphore, #tpu.memory_space<semaphore_mem>>
      %dma_start3A = arith.constant 0 : i32
      %dma_start3A_15 = arith.constant 0 : i32
      %dma_start3A_16 = tpu.memref_slice %arg3[%add3A, %dma_start3A, %dma_start3A_15] : memref<32x79x128xi32, #tpu.memory_space<hbm>> -> memref<1x79x128xi32, #tpu.memory_space<hbm>>
      %dma_start3A_17 = tpu.memref_squeeze %dma_start3A_16 : memref<1x79x128xi32, #tpu.memory_space<hbm>> -> memref<79x128xi32, #tpu.memory_space<hbm>>
      %dma_start3A_18 = arith.constant 0 : i32
      %dma_start3A_19 = arith.constant 0 : i32
      %dma_start3A_20 = tpu.memref_slice %arg3[%add3A, %dma_start3A_18, %dma_start3A_19] : memref<32x79x128xi32, #tpu.memory_space<hbm>> -> memref<1x79x128xi32, #tpu.memory_space<hbm>>
      %dma_start3A_21 = tpu.memref_squeeze %dma_start3A_20 : memref<1x79x128xi32, #tpu.memory_space<hbm>> -> memref<79x128xi32, #tpu.memory_space<hbm>>
      tpu.enqueue_dma source(%dma_start3A_21 : memref<79x128xi32, #tpu.memory_space<hbm>>) target(%arg7 : memref<79x128xi32, #tpu.memory_space<vmem>>) target_semaphore(%run_scoped3A : memref<!tpu.dma_semaphore, #tpu.memory_space<semaphore_mem>>)
      %dma_wait3A = arith.constant 0 : i32
      %dma_wait3A_22 = arith.constant 0 : i32
      %dma_wait3A_23 = tpu.memref_slice %arg3[%add3A, %dma_wait3A, %dma_wait3A_22] : memref<32x79x128xi32, #tpu.memory_space<hbm>> -> memref<1x79x128xi32, #tpu.memory_space<hbm>>
      %dma_wait3A_24 = tpu.memref_squeeze %dma_wait3A_23 : memref<1x79x128xi32, #tpu.memory_space<hbm>> -> memref<79x128xi32, #tpu.memory_space<hbm>>
      %dma_wait3A_25 = arith.constant 0 : i32
      %dma_wait3A_26 = arith.constant 0 : i32
      %dma_wait3A_27 = tpu.memref_slice %arg3[%add3A, %dma_wait3A_25, %dma_wait3A_26] : memref<32x79x128xi32, #tpu.memory_space<hbm>> -> memref<1x79x128xi32, #tpu.memory_space<hbm>>
      %dma_wait3A_28 = tpu.memref_squeeze %dma_wait3A_27 : memref<1x79x128xi32, #tpu.memory_space<hbm>> -> memref<79x128xi32, #tpu.memory_space<hbm>>
      tpu.wait_dma2 semaphore(%run_scoped3A : memref<!tpu.dma_semaphore, #tpu.memory_space<semaphore_mem>>) src(%dma_wait3A_28 : memref<79x128xi32, #tpu.memory_space<hbm>>) dst(%arg7 : memref<79x128xi32, #tpu.memory_space<vmem>>)
      tpu.yield
    }) : () -> ()
    "tpu.region"() ({
      %run_scoped3A = tpu.sem_alloc : memref<!tpu.dma_semaphore, #tpu.memory_space<semaphore_mem>>
      %dma_start3A = arith.constant 0 : i32
      %dma_start3A_15 = arith.constant 0 : i32
      %dma_start3A_16 = tpu.memref_slice %arg4[%add3A, %dma_start3A, %dma_start3A_15] : memref<32x79x128xi32, #tpu.memory_space<hbm>> -> memref<1x79x128xi32, #tpu.memory_space<hbm>>
      %dma_start3A_17 = tpu.memref_squeeze %dma_start3A_16 : memref<1x79x128xi32, #tpu.memory_space<hbm>> -> memref<79x128xi32, #tpu.memory_space<hbm>>
      %dma_start3A_18 = arith.constant 0 : i32
      %dma_start3A_19 = arith.constant 0 : i32
      %dma_start3A_20 = tpu.memref_slice %arg4[%add3A, %dma_start3A_18, %dma_start3A_19] : memref<32x79x128xi32, #tpu.memory_space<hbm>> -> memref<1x79x128xi32, #tpu.memory_space<hbm>>
      %dma_start3A_21 = tpu.memref_squeeze %dma_start3A_20 : memref<1x79x128xi32, #tpu.memory_space<hbm>> -> memref<79x128xi32, #tpu.memory_space<hbm>>
      tpu.enqueue_dma source(%dma_start3A_21 : memref<79x128xi32, #tpu.memory_space<hbm>>) target(%arg8 : memref<79x128xi32, #tpu.memory_space<vmem>>) target_semaphore(%run_scoped3A : memref<!tpu.dma_semaphore, #tpu.memory_space<semaphore_mem>>)
      %dma_wait3A = arith.constant 0 : i32
      %dma_wait3A_22 = arith.constant 0 : i32
      %dma_wait3A_23 = tpu.memref_slice %arg4[%add3A, %dma_wait3A, %dma_wait3A_22] : memref<32x79x128xi32, #tpu.memory_space<hbm>> -> memref<1x79x128xi32, #tpu.memory_space<hbm>>
      %dma_wait3A_24 = tpu.memref_squeeze %dma_wait3A_23 : memref<1x79x128xi32, #tpu.memory_space<hbm>> -> memref<79x128xi32, #tpu.memory_space<hbm>>
      %dma_wait3A_25 = arith.constant 0 : i32
      %dma_wait3A_26 = arith.constant 0 : i32
      %dma_wait3A_27 = tpu.memref_slice %arg4[%add3A, %dma_wait3A_25, %dma_wait3A_26] : memref<32x79x128xi32, #tpu.memory_space<hbm>> -> memref<1x79x128xi32, #tpu.memory_space<hbm>>
      %dma_wait3A_28 = tpu.memref_squeeze %dma_wait3A_27 : memref<1x79x128xi32, #tpu.memory_space<hbm>> -> memref<79x128xi32, #tpu.memory_space<hbm>>
      tpu.wait_dma2 semaphore(%run_scoped3A : memref<!tpu.dma_semaphore, #tpu.memory_space<semaphore_mem>>) src(%dma_wait3A_28 : memref<79x128xi32, #tpu.memory_space<hbm>>) dst(%arg8 : memref<79x128xi32, #tpu.memory_space<vmem>>)
      tpu.yield
    }) : () -> ()
    %barrier3A = arith.constant 0 : index
    tpu.barrier barrier_id(%barrier3A)
    %scan3A = arith.constant 0 : i32
    %scan3A_5 = arith.constant 0 : i32
    %scan3A_6 = arith.constant 79 : i32
    %scan3A_7 = arith.addi %scan3A_5, %scan3A_6 : i32
    %scan3A_8 = arith.constant 1 : i32
    scf.for %scan3A_15 = %scan3A_5 to %scan3A_7 step %scan3A_8  : i32 {
      %dma_start3A = arith.constant 0 : i32
      %dma_start3A_16 = tpu.memref_slice %arg7[%scan3A_15, %dma_start3A] : memref<79x128xi32, #tpu.memory_space<vmem>> -> memref<1x128xi32, #tpu.memory_space<vmem>>
      %dma_start3A_17 = tpu.memref_squeeze %dma_start3A_16 : memref<1x128xi32, #tpu.memory_space<vmem>> -> memref<128xi32, #tpu.memory_space<vmem>>
      %dma_start3A_18 = arith.constant 0 : i32
      %dma_start3A_19 = arith.constant 0 : i32
      %dma_start3A_20 = tpu.memref_slice %arg2[%dma_start3A_18, %dma_start3A_19] : memref<10112x128xf32, #tpu.memory_space<hbm>> -> memref<10112x128xf32, #tpu.memory_space<hbm>>
      tpu.enqueue_indirect_dma source(%dma_start3A_20 : memref<10112x128xf32, #tpu.memory_space<hbm>>) target(%arg9 : memref<128x128xf32, #tpu.memory_space<vmem>>) offsets(%dma_start3A_17 : memref<128xi32, #tpu.memory_space<vmem>>) semaphore(%arg11 : memref<!tpu.dma_semaphore, #tpu.memory_space<semaphore_mem>>)
      %dma_wait3A = arith.constant 0 : i32
      %dma_wait3A_21 = tpu.memref_slice %arg7[%scan3A_15, %dma_wait3A] : memref<79x128xi32, #tpu.memory_space<vmem>> -> memref<1x128xi32, #tpu.memory_space<vmem>>
      %dma_wait3A_22 = tpu.memref_squeeze %dma_wait3A_21 : memref<1x128xi32, #tpu.memory_space<vmem>> -> memref<128xi32, #tpu.memory_space<vmem>>
      %dma_wait3A_23 = arith.constant 0 : i32
      %dma_wait3A_24 = arith.constant 0 : i32
      %dma_wait3A_25 = tpu.memref_slice %arg2[%dma_wait3A_23, %dma_wait3A_24] : memref<10112x128xf32, #tpu.memory_space<hbm>> -> memref<10112x128xf32, #tpu.memory_space<hbm>>
      tpu.wait_indirect_dma semaphore(%arg11 : memref<!tpu.dma_semaphore, #tpu.memory_space<semaphore_mem>>) src(%dma_wait3A_25 : memref<10112x128xf32, #tpu.memory_space<hbm>>) dst(%arg9 : memref<128x128xf32, #tpu.memory_space<vmem>>)
      "tpu.region"() ({
        %run_scoped3A = tpu.sem_alloc : memref<!tpu.dma_semaphore, #tpu.memory_space<semaphore_mem>>
        %dma_start3A_26 = arith.constant 0 : i32
        %dma_start3A_27 = tpu.memref_slice %arg8[%scan3A_15, %dma_start3A_26] : memref<79x128xi32, #tpu.memory_space<vmem>> -> memref<1x128xi32, #tpu.memory_space<vmem>>
        %dma_start3A_28 = tpu.memref_squeeze %dma_start3A_27 : memref<1x128xi32, #tpu.memory_space<vmem>> -> memref<128xi32, #tpu.memory_space<vmem>>
        %dma_start3A_29 = arith.constant 0 : i32
        %dma_start3A_30 = arith.constant 0 : i32
        %dma_start3A_31 = tpu.memref_slice %arg10[%dma_start3A_29, %dma_start3A_30] : memref<10112x128xf32, #tpu.memory_space<vmem_shared>> -> memref<10112x128xf32, #tpu.memory_space<vmem_shared>>
        tpu.enqueue_indirect_dma source(%arg9 : memref<128x128xf32, #tpu.memory_space<vmem>>) target(%dma_start3A_31 : memref<10112x128xf32, #tpu.memory_space<vmem_shared>>) offsets(%dma_start3A_28 : memref<128xi32, #tpu.memory_space<vmem>>) semaphore(%run_scoped3A : memref<!tpu.dma_semaphore, #tpu.memory_space<semaphore_mem>>) {add = true}
        %dma_wait3A_32 = arith.constant 0 : i32
        %dma_wait3A_33 = tpu.memref_slice %arg8[%scan3A_15, %dma_wait3A_32] : memref<79x128xi32, #tpu.memory_space<vmem>> -> memref<1x128xi32, #tpu.memory_space<vmem>>
        %dma_wait3A_34 = tpu.memref_squeeze %dma_wait3A_33 : memref<1x128xi32, #tpu.memory_space<vmem>> -> memref<128xi32, #tpu.memory_space<vmem>>
        %dma_wait3A_35 = arith.constant 0 : i32
        %dma_wait3A_36 = arith.constant 0 : i32
        %dma_wait3A_37 = tpu.memref_slice %arg10[%dma_wait3A_35, %dma_wait3A_36] : memref<10112x128xf32, #tpu.memory_space<vmem_shared>> -> memref<10112x128xf32, #tpu.memory_space<vmem_shared>>
        tpu.wait_indirect_dma semaphore(%run_scoped3A : memref<!tpu.dma_semaphore, #tpu.memory_space<semaphore_mem>>) src(%arg9 : memref<128x128xf32, #tpu.memory_space<vmem>>) dst(%dma_wait3A_37 : memref<10112x128xf32, #tpu.memory_space<vmem_shared>>)
        tpu.yield
      }) : () -> ()
    }
    %scan3A_9 = arith.constant 79 : i32
    %barrier3A_10 = arith.constant 0 : index
    tpu.barrier barrier_id(%barrier3A_10)
    %mul3A_11 = arith.constant 632 : i32
    %mul3A_12 = arith.muli %arg1, %mul3A_11 : i32
    %mul3A_13 = arith.constant 632 : i32
    %mul3A_14 = arith.muli %arg1, %mul3A_13 : i32
    "tpu.region"() ({
      %run_scoped3A = tpu.sem_alloc : memref<!tpu.dma_semaphore, #tpu.memory_space<semaphore_mem>>
      %dma_start3A = arith.constant 0 : i32
      %dma_start3A_15 = tpu.memref_slice %arg6[%arg0, %mul3A_14, %dma_start3A] : memref<2x10112x128xf32, #tpu.memory_space<hbm>> -> memref<1x632x128xf32, #tpu.memory_space<hbm>>
      %dma_start3A_16 = tpu.memref_squeeze %dma_start3A_15 : memref<1x632x128xf32, #tpu.memory_space<hbm>> -> memref<632x128xf32, #tpu.memory_space<hbm>>
      %dma_start3A_17 = arith.constant 0 : i32
      %dma_start3A_18 = tpu.memref_slice %arg10[%mul3A_12, %dma_start3A_17] : memref<10112x128xf32, #tpu.memory_space<vmem_shared>> -> memref<632x128xf32, #tpu.memory_space<vmem_shared>>
      tpu.enqueue_dma source(%dma_start3A_18 : memref<632x128xf32, #tpu.memory_space<vmem_shared>>) target(%dma_start3A_16 : memref<632x128xf32, #tpu.memory_space<hbm>>) target_semaphore(%run_scoped3A : memref<!tpu.dma_semaphore, #tpu.memory_space<semaphore_mem>>)
      %dma_wait3A = arith.constant 0 : i32
      %dma_wait3A_19 = tpu.memref_slice %arg6[%arg0, %mul3A_14, %dma_wait3A] : memref<2x10112x128xf32, #tpu.memory_space<hbm>> -> memref<1x632x128xf32, #tpu.memory_space<hbm>>
      %dma_wait3A_20 = tpu.memref_squeeze %dma_wait3A_19 : memref<1x632x128xf32, #tpu.memory_space<hbm>> -> memref<632x128xf32, #tpu.memory_space<hbm>>
      %dma_wait3A_21 = arith.constant 0 : i32
      %dma_wait3A_22 = tpu.memref_slice %arg10[%mul3A_12, %dma_wait3A_21] : memref<10112x128xf32, #tpu.memory_space<vmem_shared>> -> memref<632x128xf32, #tpu.memory_space<vmem_shared>>
      tpu.wait_dma2 semaphore(%run_scoped3A : memref<!tpu.dma_semaphore, #tpu.memory_space<semaphore_mem>>) src(%dma_wait3A_22 : memref<632x128xf32, #tpu.memory_space<vmem_shared>>) dst(%dma_wait3A_20 : memref<632x128xf32, #tpu.memory_space<hbm>>)
      tpu.yield
    }) : () -> ()
    return
  }
}

#map = affine_map<(d0, d1) -> (0, 0, 0)>
#map1 = affine_map<(d0, d1) -> (0, 0)>
module attributes {stable_mosaic.version = 14 : i64} {
  func.func @deg_kernel(%arg0: i32, %arg1: i32, %arg2: memref<32x79x128xi32, #tpu.memory_space<hbm>>, %arg3: memref<128x128xf32, #tpu.memory_space<hbm>>, %arg4: memref<10112x128xf32, #tpu.memory_space<hbm>>, %arg5: memref<2x10112x128xf32, #tpu.memory_space<hbm>>, %arg6: memref<79x128xi32, #tpu.memory_space<vmem>>, %arg7: memref<128x128xf32, #tpu.memory_space<vmem>>, %arg8: memref<10112x128xf32, #tpu.memory_space<vmem_shared>>) attributes {dimension_semantics = [#tpu.dimension_semantics<core_parallel>, #tpu.dimension_semantics<subcore_parallel>], iteration_bounds = array<i64: 2, 16>, scalar_prefetch = 0 : i64, scratch_operands = 3 : i64, tpu.core_type = #tpu.core_type<sc_vector_subcore>, window_params = [{transform_indices = #map}, {transform_indices = #map1}, {transform_indices = #map1}, {transform_indices = #map}]} {
    %mul3A = arith.constant 16 : i32
    %mul3A_0 = arith.muli %arg0, %mul3A : i32
    %add3A = arith.addi %mul3A_0, %arg1 : i32
    %mul3A_1 = arith.constant 632 : i32
    %mul3A_2 = arith.muli %arg1, %mul3A_1 : i32
    %mul3A_3 = arith.constant 632 : i32
    %mul3A_4 = arith.muli %arg1, %mul3A_3 : i32
    "tpu.region"() ({
      %run_scoped3A = tpu.sem_alloc : memref<!tpu.dma_semaphore, #tpu.memory_space<semaphore_mem>>
      %dma_start3A = arith.constant 0 : i32
      %dma_start3A_15 = tpu.memref_slice %arg8[%mul3A_4, %dma_start3A] : memref<10112x128xf32, #tpu.memory_space<vmem_shared>> -> memref<632x128xf32, #tpu.memory_space<vmem_shared>>
      %dma_start3A_16 = arith.constant 0 : i32
      %dma_start3A_17 = tpu.memref_slice %arg4[%mul3A_2, %dma_start3A_16] : memref<10112x128xf32, #tpu.memory_space<hbm>> -> memref<632x128xf32, #tpu.memory_space<hbm>>
      tpu.enqueue_dma source(%dma_start3A_17 : memref<632x128xf32, #tpu.memory_space<hbm>>) target(%dma_start3A_15 : memref<632x128xf32, #tpu.memory_space<vmem_shared>>) target_semaphore(%run_scoped3A : memref<!tpu.dma_semaphore, #tpu.memory_space<semaphore_mem>>)
      %dma_wait3A = arith.constant 0 : i32
      %dma_wait3A_18 = tpu.memref_slice %arg8[%mul3A_4, %dma_wait3A] : memref<10112x128xf32, #tpu.memory_space<vmem_shared>> -> memref<632x128xf32, #tpu.memory_space<vmem_shared>>
      %dma_wait3A_19 = arith.constant 0 : i32
      %dma_wait3A_20 = tpu.memref_slice %arg4[%mul3A_2, %dma_wait3A_19] : memref<10112x128xf32, #tpu.memory_space<hbm>> -> memref<632x128xf32, #tpu.memory_space<hbm>>
      tpu.wait_dma2 semaphore(%run_scoped3A : memref<!tpu.dma_semaphore, #tpu.memory_space<semaphore_mem>>) src(%dma_wait3A_20 : memref<632x128xf32, #tpu.memory_space<hbm>>) dst(%dma_wait3A_18 : memref<632x128xf32, #tpu.memory_space<vmem_shared>>)
      tpu.yield
    }) : () -> ()
    "tpu.region"() ({
      %run_scoped3A = tpu.sem_alloc : memref<!tpu.dma_semaphore, #tpu.memory_space<semaphore_mem>>
      tpu.enqueue_dma source(%arg3 : memref<128x128xf32, #tpu.memory_space<hbm>>) target(%arg7 : memref<128x128xf32, #tpu.memory_space<vmem>>) target_semaphore(%run_scoped3A : memref<!tpu.dma_semaphore, #tpu.memory_space<semaphore_mem>>)
      tpu.wait_dma2 semaphore(%run_scoped3A : memref<!tpu.dma_semaphore, #tpu.memory_space<semaphore_mem>>) src(%arg3 : memref<128x128xf32, #tpu.memory_space<hbm>>) dst(%arg7 : memref<128x128xf32, #tpu.memory_space<vmem>>)
      tpu.yield
    }) : () -> ()
    "tpu.region"() ({
      %run_scoped3A = tpu.sem_alloc : memref<!tpu.dma_semaphore, #tpu.memory_space<semaphore_mem>>
      %dma_start3A = arith.constant 0 : i32
      %dma_start3A_15 = arith.constant 0 : i32
      %dma_start3A_16 = tpu.memref_slice %arg2[%add3A, %dma_start3A, %dma_start3A_15] : memref<32x79x128xi32, #tpu.memory_space<hbm>> -> memref<1x79x128xi32, #tpu.memory_space<hbm>>
      %dma_start3A_17 = tpu.memref_squeeze %dma_start3A_16 : memref<1x79x128xi32, #tpu.memory_space<hbm>> -> memref<79x128xi32, #tpu.memory_space<hbm>>
      %dma_start3A_18 = arith.constant 0 : i32
      %dma_start3A_19 = arith.constant 0 : i32
      %dma_start3A_20 = tpu.memref_slice %arg2[%add3A, %dma_start3A_18, %dma_start3A_19] : memref<32x79x128xi32, #tpu.memory_space<hbm>> -> memref<1x79x128xi32, #tpu.memory_space<hbm>>
      %dma_start3A_21 = tpu.memref_squeeze %dma_start3A_20 : memref<1x79x128xi32, #tpu.memory_space<hbm>> -> memref<79x128xi32, #tpu.memory_space<hbm>>
      tpu.enqueue_dma source(%dma_start3A_21 : memref<79x128xi32, #tpu.memory_space<hbm>>) target(%arg6 : memref<79x128xi32, #tpu.memory_space<vmem>>) target_semaphore(%run_scoped3A : memref<!tpu.dma_semaphore, #tpu.memory_space<semaphore_mem>>)
      %dma_wait3A = arith.constant 0 : i32
      %dma_wait3A_22 = arith.constant 0 : i32
      %dma_wait3A_23 = tpu.memref_slice %arg2[%add3A, %dma_wait3A, %dma_wait3A_22] : memref<32x79x128xi32, #tpu.memory_space<hbm>> -> memref<1x79x128xi32, #tpu.memory_space<hbm>>
      %dma_wait3A_24 = tpu.memref_squeeze %dma_wait3A_23 : memref<1x79x128xi32, #tpu.memory_space<hbm>> -> memref<79x128xi32, #tpu.memory_space<hbm>>
      %dma_wait3A_25 = arith.constant 0 : i32
      %dma_wait3A_26 = arith.constant 0 : i32
      %dma_wait3A_27 = tpu.memref_slice %arg2[%add3A, %dma_wait3A_25, %dma_wait3A_26] : memref<32x79x128xi32, #tpu.memory_space<hbm>> -> memref<1x79x128xi32, #tpu.memory_space<hbm>>
      %dma_wait3A_28 = tpu.memref_squeeze %dma_wait3A_27 : memref<1x79x128xi32, #tpu.memory_space<hbm>> -> memref<79x128xi32, #tpu.memory_space<hbm>>
      tpu.wait_dma2 semaphore(%run_scoped3A : memref<!tpu.dma_semaphore, #tpu.memory_space<semaphore_mem>>) src(%dma_wait3A_28 : memref<79x128xi32, #tpu.memory_space<hbm>>) dst(%arg6 : memref<79x128xi32, #tpu.memory_space<vmem>>)
      tpu.yield
    }) : () -> ()
    %barrier3A = arith.constant 0 : index
    tpu.barrier barrier_id(%barrier3A)
    %scan3A = arith.constant 0 : i32
    %scan3A_5 = arith.constant 0 : i32
    %scan3A_6 = arith.constant 79 : i32
    %scan3A_7 = arith.addi %scan3A_5, %scan3A_6 : i32
    %scan3A_8 = arith.constant 1 : i32
    scf.for %scan3A_15 = %scan3A_5 to %scan3A_7 step %scan3A_8  : i32 {
      "tpu.region"() ({
        %run_scoped3A = tpu.sem_alloc : memref<!tpu.dma_semaphore, #tpu.memory_space<semaphore_mem>>
        %dma_start3A = arith.constant 0 : i32
        %dma_start3A_16 = tpu.memref_slice %arg6[%scan3A_15, %dma_start3A] : memref<79x128xi32, #tpu.memory_space<vmem>> -> memref<1x128xi32, #tpu.memory_space<vmem>>
        %dma_start3A_17 = tpu.memref_squeeze %dma_start3A_16 : memref<1x128xi32, #tpu.memory_space<vmem>> -> memref<128xi32, #tpu.memory_space<vmem>>
        %dma_start3A_18 = arith.constant 0 : i32
        %dma_start3A_19 = arith.constant 0 : i32
        %dma_start3A_20 = tpu.memref_slice %arg8[%dma_start3A_18, %dma_start3A_19] : memref<10112x128xf32, #tpu.memory_space<vmem_shared>> -> memref<10112x128xf32, #tpu.memory_space<vmem_shared>>
        tpu.enqueue_indirect_dma source(%arg7 : memref<128x128xf32, #tpu.memory_space<vmem>>) target(%dma_start3A_20 : memref<10112x128xf32, #tpu.memory_space<vmem_shared>>) offsets(%dma_start3A_17 : memref<128xi32, #tpu.memory_space<vmem>>) semaphore(%run_scoped3A : memref<!tpu.dma_semaphore, #tpu.memory_space<semaphore_mem>>) {add = true}
        %dma_wait3A = arith.constant 0 : i32
        %dma_wait3A_21 = tpu.memref_slice %arg6[%scan3A_15, %dma_wait3A] : memref<79x128xi32, #tpu.memory_space<vmem>> -> memref<1x128xi32, #tpu.memory_space<vmem>>
        %dma_wait3A_22 = tpu.memref_squeeze %dma_wait3A_21 : memref<1x128xi32, #tpu.memory_space<vmem>> -> memref<128xi32, #tpu.memory_space<vmem>>
        %dma_wait3A_23 = arith.constant 0 : i32
        %dma_wait3A_24 = arith.constant 0 : i32
        %dma_wait3A_25 = tpu.memref_slice %arg8[%dma_wait3A_23, %dma_wait3A_24] : memref<10112x128xf32, #tpu.memory_space<vmem_shared>> -> memref<10112x128xf32, #tpu.memory_space<vmem_shared>>
        tpu.wait_indirect_dma semaphore(%run_scoped3A : memref<!tpu.dma_semaphore, #tpu.memory_space<semaphore_mem>>) src(%arg7 : memref<128x128xf32, #tpu.memory_space<vmem>>) dst(%dma_wait3A_25 : memref<10112x128xf32, #tpu.memory_space<vmem_shared>>)
        tpu.yield
      }) : () -> ()
    }
    %scan3A_9 = arith.constant 79 : i32
    %barrier3A_10 = arith.constant 0 : index
    tpu.barrier barrier_id(%barrier3A_10)
    %mul3A_11 = arith.constant 632 : i32
    %mul3A_12 = arith.muli %arg1, %mul3A_11 : i32
    %mul3A_13 = arith.constant 632 : i32
    %mul3A_14 = arith.muli %arg1, %mul3A_13 : i32
    "tpu.region"() ({
      %run_scoped3A = tpu.sem_alloc : memref<!tpu.dma_semaphore, #tpu.memory_space<semaphore_mem>>
      %dma_start3A = arith.constant 0 : i32
      %dma_start3A_15 = tpu.memref_slice %arg5[%arg0, %mul3A_14, %dma_start3A] : memref<2x10112x128xf32, #tpu.memory_space<hbm>> -> memref<1x632x128xf32, #tpu.memory_space<hbm>>
      %dma_start3A_16 = tpu.memref_squeeze %dma_start3A_15 : memref<1x632x128xf32, #tpu.memory_space<hbm>> -> memref<632x128xf32, #tpu.memory_space<hbm>>
      %dma_start3A_17 = arith.constant 0 : i32
      %dma_start3A_18 = tpu.memref_slice %arg8[%mul3A_12, %dma_start3A_17] : memref<10112x128xf32, #tpu.memory_space<vmem_shared>> -> memref<632x128xf32, #tpu.memory_space<vmem_shared>>
      tpu.enqueue_dma source(%dma_start3A_18 : memref<632x128xf32, #tpu.memory_space<vmem_shared>>) target(%dma_start3A_16 : memref<632x128xf32, #tpu.memory_space<hbm>>) target_semaphore(%run_scoped3A : memref<!tpu.dma_semaphore, #tpu.memory_space<semaphore_mem>>)
      %dma_wait3A = arith.constant 0 : i32
      %dma_wait3A_19 = tpu.memref_slice %arg5[%arg0, %mul3A_14, %dma_wait3A] : memref<2x10112x128xf32, #tpu.memory_space<hbm>> -> memref<1x632x128xf32, #tpu.memory_space<hbm>>
      %dma_wait3A_20 = tpu.memref_squeeze %dma_wait3A_19 : memref<1x632x128xf32, #tpu.memory_space<hbm>> -> memref<632x128xf32, #tpu.memory_space<hbm>>
      %dma_wait3A_21 = arith.constant 0 : i32
      %dma_wait3A_22 = tpu.memref_slice %arg8[%mul3A_12, %dma_wait3A_21] : memref<10112x128xf32, #tpu.memory_space<vmem_shared>> -> memref<632x128xf32, #tpu.memory_space<vmem_shared>>
      tpu.wait_dma2 semaphore(%run_scoped3A : memref<!tpu.dma_semaphore, #tpu.memory_space<semaphore_mem>>) src(%dma_wait3A_22 : memref<632x128xf32, #tpu.memory_space<vmem_shared>>) dst(%dma_wait3A_20 : memref<632x128xf32, #tpu.memory_space<hbm>>)
      tpu.yield
    }) : () -> ()
    return
  }
}

#map = affine_map<(d0, d1) -> (0, 0)>
#map1 = affine_map<(d0, d1) -> (0, 0, 0)>
module attributes {stable_mosaic.version = 14 : i64} {
  func.func @agg_kernel(%arg0: i32, %arg1: i32, %arg2: memref<10112x128xf32, #tpu.memory_space<hbm>>, %arg3: memref<32x79x128xi32, #tpu.memory_space<hbm>>, %arg4: memref<32x79x128xi32, #tpu.memory_space<hbm>>, %arg5: memref<10112x128xf32, #tpu.memory_space<hbm>>, %arg6: memref<2x10112x128xf32, #tpu.memory_space<hbm>>, %arg7: memref<79x128xi32, #tpu.memory_space<vmem>>, %arg8: memref<79x128xi32, #tpu.memory_space<vmem>>, %arg9: memref<128x128xf32, #tpu.memory_space<vmem>>, %arg10: memref<10112x128xf32, #tpu.memory_space<vmem_shared>>, %arg11: memref<!tpu.dma_semaphore, #tpu.memory_space<semaphore_mem>>) attributes {dimension_semantics = [#tpu.dimension_semantics<core_parallel>, #tpu.dimension_semantics<subcore_parallel>], iteration_bounds = array<i64: 2, 16>, scalar_prefetch = 0 : i64, scratch_operands = 5 : i64, tpu.core_type = #tpu.core_type<sc_vector_subcore>, window_params = [{transform_indices = #map}, {transform_indices = #map1}, {transform_indices = #map1}, {transform_indices = #map}, {transform_indices = #map1}]} {
    %mul3A = arith.constant 16 : i32
    %mul3A_0 = arith.muli %arg0, %mul3A : i32
    %add3A = arith.addi %mul3A_0, %arg1 : i32
    %mul3A_1 = arith.constant 632 : i32
    %mul3A_2 = arith.muli %arg1, %mul3A_1 : i32
    %mul3A_3 = arith.constant 632 : i32
    %mul3A_4 = arith.muli %arg1, %mul3A_3 : i32
    "tpu.region"() ({
      %run_scoped3A = tpu.sem_alloc : memref<!tpu.dma_semaphore, #tpu.memory_space<semaphore_mem>>
      %dma_start3A = arith.constant 0 : i32
      %dma_start3A_15 = tpu.memref_slice %arg10[%mul3A_4, %dma_start3A] : memref<10112x128xf32, #tpu.memory_space<vmem_shared>> -> memref<632x128xf32, #tpu.memory_space<vmem_shared>>
      %dma_start3A_16 = arith.constant 0 : i32
      %dma_start3A_17 = tpu.memref_slice %arg5[%mul3A_2, %dma_start3A_16] : memref<10112x128xf32, #tpu.memory_space<hbm>> -> memref<632x128xf32, #tpu.memory_space<hbm>>
      tpu.enqueue_dma source(%dma_start3A_17 : memref<632x128xf32, #tpu.memory_space<hbm>>) target(%dma_start3A_15 : memref<632x128xf32, #tpu.memory_space<vmem_shared>>) target_semaphore(%run_scoped3A : memref<!tpu.dma_semaphore, #tpu.memory_space<semaphore_mem>>)
      %dma_wait3A = arith.constant 0 : i32
      %dma_wait3A_18 = tpu.memref_slice %arg10[%mul3A_4, %dma_wait3A] : memref<10112x128xf32, #tpu.memory_space<vmem_shared>> -> memref<632x128xf32, #tpu.memory_space<vmem_shared>>
      %dma_wait3A_19 = arith.constant 0 : i32
      %dma_wait3A_20 = tpu.memref_slice %arg5[%mul3A_2, %dma_wait3A_19] : memref<10112x128xf32, #tpu.memory_space<hbm>> -> memref<632x128xf32, #tpu.memory_space<hbm>>
      tpu.wait_dma2 semaphore(%run_scoped3A : memref<!tpu.dma_semaphore, #tpu.memory_space<semaphore_mem>>) src(%dma_wait3A_20 : memref<632x128xf32, #tpu.memory_space<hbm>>) dst(%dma_wait3A_18 : memref<632x128xf32, #tpu.memory_space<vmem_shared>>)
      tpu.yield
    }) : () -> ()
    "tpu.region"() ({
      %run_scoped3A = tpu.sem_alloc : memref<!tpu.dma_semaphore, #tpu.memory_space<semaphore_mem>>
      %dma_start3A = arith.constant 0 : i32
      %dma_start3A_15 = arith.constant 0 : i32
      %dma_start3A_16 = tpu.memref_slice %arg3[%add3A, %dma_start3A, %dma_start3A_15] : memref<32x79x128xi32, #tpu.memory_space<hbm>> -> memref<1x79x128xi32, #tpu.memory_space<hbm>>
      %dma_start3A_17 = tpu.memref_squeeze %dma_start3A_16 : memref<1x79x128xi32, #tpu.memory_space<hbm>> -> memref<79x128xi32, #tpu.memory_space<hbm>>
      %dma_start3A_18 = arith.constant 0 : i32
      %dma_start3A_19 = arith.constant 0 : i32
      %dma_start3A_20 = tpu.memref_slice %arg3[%add3A, %dma_start3A_18, %dma_start3A_19] : memref<32x79x128xi32, #tpu.memory_space<hbm>> -> memref<1x79x128xi32, #tpu.memory_space<hbm>>
      %dma_start3A_21 = tpu.memref_squeeze %dma_start3A_20 : memref<1x79x128xi32, #tpu.memory_space<hbm>> -> memref<79x128xi32, #tpu.memory_space<hbm>>
      tpu.enqueue_dma source(%dma_start3A_21 : memref<79x128xi32, #tpu.memory_space<hbm>>) target(%arg7 : memref<79x128xi32, #tpu.memory_space<vmem>>) target_semaphore(%run_scoped3A : memref<!tpu.dma_semaphore, #tpu.memory_space<semaphore_mem>>)
      %dma_wait3A = arith.constant 0 : i32
      %dma_wait3A_22 = arith.constant 0 : i32
      %dma_wait3A_23 = tpu.memref_slice %arg3[%add3A, %dma_wait3A, %dma_wait3A_22] : memref<32x79x128xi32, #tpu.memory_space<hbm>> -> memref<1x79x128xi32, #tpu.memory_space<hbm>>
      %dma_wait3A_24 = tpu.memref_squeeze %dma_wait3A_23 : memref<1x79x128xi32, #tpu.memory_space<hbm>> -> memref<79x128xi32, #tpu.memory_space<hbm>>
      %dma_wait3A_25 = arith.constant 0 : i32
      %dma_wait3A_26 = arith.constant 0 : i32
      %dma_wait3A_27 = tpu.memref_slice %arg3[%add3A, %dma_wait3A_25, %dma_wait3A_26] : memref<32x79x128xi32, #tpu.memory_space<hbm>> -> memref<1x79x128xi32, #tpu.memory_space<hbm>>
      %dma_wait3A_28 = tpu.memref_squeeze %dma_wait3A_27 : memref<1x79x128xi32, #tpu.memory_space<hbm>> -> memref<79x128xi32, #tpu.memory_space<hbm>>
      tpu.wait_dma2 semaphore(%run_scoped3A : memref<!tpu.dma_semaphore, #tpu.memory_space<semaphore_mem>>) src(%dma_wait3A_28 : memref<79x128xi32, #tpu.memory_space<hbm>>) dst(%arg7 : memref<79x128xi32, #tpu.memory_space<vmem>>)
      tpu.yield
    }) : () -> ()
    "tpu.region"() ({
      %run_scoped3A = tpu.sem_alloc : memref<!tpu.dma_semaphore, #tpu.memory_space<semaphore_mem>>
      %dma_start3A = arith.constant 0 : i32
      %dma_start3A_15 = arith.constant 0 : i32
      %dma_start3A_16 = tpu.memref_slice %arg4[%add3A, %dma_start3A, %dma_start3A_15] : memref<32x79x128xi32, #tpu.memory_space<hbm>> -> memref<1x79x128xi32, #tpu.memory_space<hbm>>
      %dma_start3A_17 = tpu.memref_squeeze %dma_start3A_16 : memref<1x79x128xi32, #tpu.memory_space<hbm>> -> memref<79x128xi32, #tpu.memory_space<hbm>>
      %dma_start3A_18 = arith.constant 0 : i32
      %dma_start3A_19 = arith.constant 0 : i32
      %dma_start3A_20 = tpu.memref_slice %arg4[%add3A, %dma_start3A_18, %dma_start3A_19] : memref<32x79x128xi32, #tpu.memory_space<hbm>> -> memref<1x79x128xi32, #tpu.memory_space<hbm>>
      %dma_start3A_21 = tpu.memref_squeeze %dma_start3A_20 : memref<1x79x128xi32, #tpu.memory_space<hbm>> -> memref<79x128xi32, #tpu.memory_space<hbm>>
      tpu.enqueue_dma source(%dma_start3A_21 : memref<79x128xi32, #tpu.memory_space<hbm>>) target(%arg8 : memref<79x128xi32, #tpu.memory_space<vmem>>) target_semaphore(%run_scoped3A : memref<!tpu.dma_semaphore, #tpu.memory_space<semaphore_mem>>)
      %dma_wait3A = arith.constant 0 : i32
      %dma_wait3A_22 = arith.constant 0 : i32
      %dma_wait3A_23 = tpu.memref_slice %arg4[%add3A, %dma_wait3A, %dma_wait3A_22] : memref<32x79x128xi32, #tpu.memory_space<hbm>> -> memref<1x79x128xi32, #tpu.memory_space<hbm>>
      %dma_wait3A_24 = tpu.memref_squeeze %dma_wait3A_23 : memref<1x79x128xi32, #tpu.memory_space<hbm>> -> memref<79x128xi32, #tpu.memory_space<hbm>>
      %dma_wait3A_25 = arith.constant 0 : i32
      %dma_wait3A_26 = arith.constant 0 : i32
      %dma_wait3A_27 = tpu.memref_slice %arg4[%add3A, %dma_wait3A_25, %dma_wait3A_26] : memref<32x79x128xi32, #tpu.memory_space<hbm>> -> memref<1x79x128xi32, #tpu.memory_space<hbm>>
      %dma_wait3A_28 = tpu.memref_squeeze %dma_wait3A_27 : memref<1x79x128xi32, #tpu.memory_space<hbm>> -> memref<79x128xi32, #tpu.memory_space<hbm>>
      tpu.wait_dma2 semaphore(%run_scoped3A : memref<!tpu.dma_semaphore, #tpu.memory_space<semaphore_mem>>) src(%dma_wait3A_28 : memref<79x128xi32, #tpu.memory_space<hbm>>) dst(%arg8 : memref<79x128xi32, #tpu.memory_space<vmem>>)
      tpu.yield
    }) : () -> ()
    %barrier3A = arith.constant 0 : index
    tpu.barrier barrier_id(%barrier3A)
    %scan3A = arith.constant 0 : i32
    %scan3A_5 = arith.constant 0 : i32
    %scan3A_6 = arith.constant 79 : i32
    %scan3A_7 = arith.addi %scan3A_5, %scan3A_6 : i32
    %scan3A_8 = arith.constant 1 : i32
    scf.for %scan3A_15 = %scan3A_5 to %scan3A_7 step %scan3A_8  : i32 {
      %dma_start3A = arith.constant 0 : i32
      %dma_start3A_16 = tpu.memref_slice %arg7[%scan3A_15, %dma_start3A] : memref<79x128xi32, #tpu.memory_space<vmem>> -> memref<1x128xi32, #tpu.memory_space<vmem>>
      %dma_start3A_17 = tpu.memref_squeeze %dma_start3A_16 : memref<1x128xi32, #tpu.memory_space<vmem>> -> memref<128xi32, #tpu.memory_space<vmem>>
      %dma_start3A_18 = arith.constant 0 : i32
      %dma_start3A_19 = arith.constant 0 : i32
      %dma_start3A_20 = tpu.memref_slice %arg2[%dma_start3A_18, %dma_start3A_19] : memref<10112x128xf32, #tpu.memory_space<hbm>> -> memref<10112x128xf32, #tpu.memory_space<hbm>>
      tpu.enqueue_indirect_dma source(%dma_start3A_20 : memref<10112x128xf32, #tpu.memory_space<hbm>>) target(%arg9 : memref<128x128xf32, #tpu.memory_space<vmem>>) offsets(%dma_start3A_17 : memref<128xi32, #tpu.memory_space<vmem>>) semaphore(%arg11 : memref<!tpu.dma_semaphore, #tpu.memory_space<semaphore_mem>>)
      %dma_wait3A = arith.constant 0 : i32
      %dma_wait3A_21 = tpu.memref_slice %arg7[%scan3A_15, %dma_wait3A] : memref<79x128xi32, #tpu.memory_space<vmem>> -> memref<1x128xi32, #tpu.memory_space<vmem>>
      %dma_wait3A_22 = tpu.memref_squeeze %dma_wait3A_21 : memref<1x128xi32, #tpu.memory_space<vmem>> -> memref<128xi32, #tpu.memory_space<vmem>>
      %dma_wait3A_23 = arith.constant 0 : i32
      %dma_wait3A_24 = arith.constant 0 : i32
      %dma_wait3A_25 = tpu.memref_slice %arg2[%dma_wait3A_23, %dma_wait3A_24] : memref<10112x128xf32, #tpu.memory_space<hbm>> -> memref<10112x128xf32, #tpu.memory_space<hbm>>
      tpu.wait_indirect_dma semaphore(%arg11 : memref<!tpu.dma_semaphore, #tpu.memory_space<semaphore_mem>>) src(%dma_wait3A_25 : memref<10112x128xf32, #tpu.memory_space<hbm>>) dst(%arg9 : memref<128x128xf32, #tpu.memory_space<vmem>>)
      "tpu.region"() ({
        %run_scoped3A = tpu.sem_alloc : memref<!tpu.dma_semaphore, #tpu.memory_space<semaphore_mem>>
        %dma_start3A_26 = arith.constant 0 : i32
        %dma_start3A_27 = tpu.memref_slice %arg8[%scan3A_15, %dma_start3A_26] : memref<79x128xi32, #tpu.memory_space<vmem>> -> memref<1x128xi32, #tpu.memory_space<vmem>>
        %dma_start3A_28 = tpu.memref_squeeze %dma_start3A_27 : memref<1x128xi32, #tpu.memory_space<vmem>> -> memref<128xi32, #tpu.memory_space<vmem>>
        %dma_start3A_29 = arith.constant 0 : i32
        %dma_start3A_30 = arith.constant 0 : i32
        %dma_start3A_31 = tpu.memref_slice %arg10[%dma_start3A_29, %dma_start3A_30] : memref<10112x128xf32, #tpu.memory_space<vmem_shared>> -> memref<10112x128xf32, #tpu.memory_space<vmem_shared>>
        tpu.enqueue_indirect_dma source(%arg9 : memref<128x128xf32, #tpu.memory_space<vmem>>) target(%dma_start3A_31 : memref<10112x128xf32, #tpu.memory_space<vmem_shared>>) offsets(%dma_start3A_28 : memref<128xi32, #tpu.memory_space<vmem>>) semaphore(%run_scoped3A : memref<!tpu.dma_semaphore, #tpu.memory_space<semaphore_mem>>) {add = true}
        %dma_wait3A_32 = arith.constant 0 : i32
        %dma_wait3A_33 = tpu.memref_slice %arg8[%scan3A_15, %dma_wait3A_32] : memref<79x128xi32, #tpu.memory_space<vmem>> -> memref<1x128xi32, #tpu.memory_space<vmem>>
        %dma_wait3A_34 = tpu.memref_squeeze %dma_wait3A_33 : memref<1x128xi32, #tpu.memory_space<vmem>> -> memref<128xi32, #tpu.memory_space<vmem>>
        %dma_wait3A_35 = arith.constant 0 : i32
        %dma_wait3A_36 = arith.constant 0 : i32
        %dma_wait3A_37 = tpu.memref_slice %arg10[%dma_wait3A_35, %dma_wait3A_36] : memref<10112x128xf32, #tpu.memory_space<vmem_shared>> -> memref<10112x128xf32, #tpu.memory_space<vmem_shared>>
        tpu.wait_indirect_dma semaphore(%run_scoped3A : memref<!tpu.dma_semaphore, #tpu.memory_space<semaphore_mem>>) src(%arg9 : memref<128x128xf32, #tpu.memory_space<vmem>>) dst(%dma_wait3A_37 : memref<10112x128xf32, #tpu.memory_space<vmem_shared>>)
        tpu.yield
      }) : () -> ()
    }
    %scan3A_9 = arith.constant 79 : i32
    %barrier3A_10 = arith.constant 0 : index
    tpu.barrier barrier_id(%barrier3A_10)
    %mul3A_11 = arith.constant 632 : i32
    %mul3A_12 = arith.muli %arg1, %mul3A_11 : i32
    %mul3A_13 = arith.constant 632 : i32
    %mul3A_14 = arith.muli %arg1, %mul3A_13 : i32
    "tpu.region"() ({
      %run_scoped3A = tpu.sem_alloc : memref<!tpu.dma_semaphore, #tpu.memory_space<semaphore_mem>>
      %dma_start3A = arith.constant 0 : i32
      %dma_start3A_15 = tpu.memref_slice %arg6[%arg0, %mul3A_14, %dma_start3A] : memref<2x10112x128xf32, #tpu.memory_space<hbm>> -> memref<1x632x128xf32, #tpu.memory_space<hbm>>
      %dma_start3A_16 = tpu.memref_squeeze %dma_start3A_15 : memref<1x632x128xf32, #tpu.memory_space<hbm>> -> memref<632x128xf32, #tpu.memory_space<hbm>>
      %dma_start3A_17 = arith.constant 0 : i32
      %dma_start3A_18 = tpu.memref_slice %arg10[%mul3A_12, %dma_start3A_17] : memref<10112x128xf32, #tpu.memory_space<vmem_shared>> -> memref<632x128xf32, #tpu.memory_space<vmem_shared>>
      tpu.enqueue_dma source(%dma_start3A_18 : memref<632x128xf32, #tpu.memory_space<vmem_shared>>) target(%dma_start3A_16 : memref<632x128xf32, #tpu.memory_space<hbm>>) target_semaphore(%run_scoped3A : memref<!tpu.dma_semaphore, #tpu.memory_space<semaphore_mem>>)
      %dma_wait3A = arith.constant 0 : i32
      %dma_wait3A_19 = tpu.memref_slice %arg6[%arg0, %mul3A_14, %dma_wait3A] : memref<2x10112x128xf32, #tpu.memory_space<hbm>> -> memref<1x632x128xf32, #tpu.memory_space<hbm>>
      %dma_wait3A_20 = tpu.memref_squeeze %dma_wait3A_19 : memref<1x632x128xf32, #tpu.memory_space<hbm>> -> memref<632x128xf32, #tpu.memory_space<hbm>>
      %dma_wait3A_21 = arith.constant 0 : i32
      %dma_wait3A_22 = tpu.memref_slice %arg10[%mul3A_12, %dma_wait3A_21] : memref<10112x128xf32, #tpu.memory_space<vmem_shared>> -> memref<632x128xf32, #tpu.memory_space<vmem_shared>>
      tpu.wait_dma2 semaphore(%run_scoped3A : memref<!tpu.dma_semaphore, #tpu.memory_space<semaphore_mem>>) src(%dma_wait3A_22 : memref<632x128xf32, #tpu.memory_space<vmem_shared>>) dst(%dma_wait3A_20 : memref<632x128xf32, #tpu.memory_space<hbm>>)
      tpu.yield
    }) : () -> ()
    return
  }
}

module attributes {stable_mosaic.version = 14 : i64} {
  func.func @_tc1_body(%arg0: memref<10112x128xf32, #tpu.memory_space<vmem>>, %arg1: memref<128x128xf32, #tpu.memory_space<vmem>>, %arg2: memref<2x10112x128xf32, #tpu.memory_space<vmem>>, %arg3: memref<10112x128xf32, #tpu.memory_space<vmem>>, %arg4: memref<10112x1xf32, #tpu.memory_space<vmem>>) attributes {dimension_semantics = [], scalar_prefetch = 0 : i64, scratch_operands = 0 : i64, tpu.core_type = #tpu.core_type<tc>} {
    %get3A = arith.constant 0 : index
    %get3A_0 = arith.constant 0 : index
    %get3A_1 = arith.constant 0 : index
    %get3A_2 = vector.load %arg2[%get3A, %get3A_0, %get3A_1] : memref<2x10112x128xf32, #tpu.memory_space<vmem>>, vector<1x10112x1xf32>
    %get3A_3 = vector.shape_cast %get3A_2 : vector<1x10112x1xf32> to vector<10112x1xf32>
    %add3A = arith.constant 1.000000e+00 : f32
    %add3A_4 = vector.broadcast %add3A : f32 to vector<10112x1xf32>
    %add3A_5 = arith.addf %add3A_4, %get3A_3 : vector<10112x1xf32>
    %get3A_6 = arith.constant 1 : index
    %get3A_7 = arith.constant 0 : index
    %get3A_8 = arith.constant 0 : index
    %get3A_9 = vector.load %arg2[%get3A_6, %get3A_7, %get3A_8] : memref<2x10112x128xf32, #tpu.memory_space<vmem>>, vector<1x10112x1xf32>
    %get3A_10 = vector.shape_cast %get3A_9 : vector<1x10112x1xf32> to vector<10112x1xf32>
    %add3A_11 = arith.addf %add3A_5, %get3A_10 : vector<10112x1xf32>
    %rsqrt3A = math.rsqrt %add3A_11 : vector<10112x1xf32>
    %get3A_12 = arith.constant 0 : index
    %get3A_13 = arith.constant 0 : index
    %get3A_14 = vector.load %arg0[%get3A_12, %get3A_13] : memref<10112x128xf32, #tpu.memory_space<vmem>>, vector<10112x128xf32>
    %get3A_15 = arith.constant 0 : index
    %get3A_16 = arith.constant 0 : index
    %get3A_17 = vector.load %arg1[%get3A_15, %get3A_16] : memref<128x128xf32, #tpu.memory_space<vmem>>, vector<128x128xf32>
    %dot_general3A = arith.constant dense<0.000000e+00> : vector<10112x128xf32>
    %dot_general3A_18 = tpu.matmul %get3A_14, %get3A_17, %dot_general3A {dimension_numbers = #tpu.dot_dimension_numbers<[1], [0], [0], [1], [0, 0, 1, 1], [], []>, transpose_lhs_hint = false} : vector<10112x128xf32>, vector<128x128xf32>, vector<10112x128xf32> -> vector<10112x128xf32>
    %mul3A = vector.broadcast %rsqrt3A : vector<10112x1xf32> to vector<10112x128xf32>
    %mul3A_19 = arith.mulf %dot_general3A_18, %mul3A : vector<10112x128xf32>
    %swap3A = arith.constant 0 : index
    %swap3A_20 = arith.constant 0 : index
    %swap3A_21 = vector.load %arg3[%swap3A, %swap3A_20] : memref<10112x128xf32, #tpu.memory_space<vmem>>, vector<10112x128xf32>
    tpu.vector_store %arg3[%swap3A, %swap3A_20], %mul3A_19 {strides = array<i32>} : memref<10112x128xf32, #tpu.memory_space<vmem>>, vector<10112x128xf32>,
    %swap3A_22 = arith.constant 0 : index
    %swap3A_23 = arith.constant 0 : index
    %swap3A_24 = vector.load %arg4[%swap3A_22, %swap3A_23] : memref<10112x1xf32, #tpu.memory_space<vmem>>, vector<10112x1xf32>
    tpu.vector_store %arg4[%swap3A_22, %swap3A_23], %rsqrt3A {strides = array<i32>} : memref<10112x1xf32, #tpu.memory_space<vmem>>, vector<10112x1xf32>,
    return
  }
}

module attributes {stable_mosaic.version = 14 : i64} {
  func.func @_tc2_body(%arg0: memref<2x10112x128xf32, #tpu.memory_space<vmem>>, %arg1: memref<10112x128xf32, #tpu.memory_space<vmem>>, %arg2: memref<10112x1xf32, #tpu.memory_space<vmem>>, %arg3: memref<128x128xf32, #tpu.memory_space<vmem>>, %arg4: memref<1x128xf32, #tpu.memory_space<vmem>>, %arg5: memref<10112x128xf32, #tpu.memory_space<vmem>>) attributes {dimension_semantics = [], scalar_prefetch = 0 : i64, scratch_operands = 0 : i64, tpu.core_type = #tpu.core_type<tc>} {
    %get3A = arith.constant 0 : index
    %get3A_0 = arith.constant 0 : index
    %get3A_1 = vector.load %arg2[%get3A, %get3A_0] : memref<10112x1xf32, #tpu.memory_space<vmem>>, vector<10112x1xf32>
    %get3A_2 = arith.constant 0 : index
    %get3A_3 = arith.constant 0 : index
    %get3A_4 = arith.constant 0 : index
    %get3A_5 = vector.load %arg0[%get3A_2, %get3A_3, %get3A_4] : memref<2x10112x128xf32, #tpu.memory_space<vmem>>, vector<1x10112x128xf32>
    %get3A_6 = vector.shape_cast %get3A_5 : vector<1x10112x128xf32> to vector<10112x128xf32>
    %get3A_7 = arith.constant 1 : index
    %get3A_8 = arith.constant 0 : index
    %get3A_9 = arith.constant 0 : index
    %get3A_10 = vector.load %arg0[%get3A_7, %get3A_8, %get3A_9] : memref<2x10112x128xf32, #tpu.memory_space<vmem>>, vector<1x10112x128xf32>
    %get3A_11 = vector.shape_cast %get3A_10 : vector<1x10112x128xf32> to vector<10112x128xf32>
    %add3A = arith.addf %get3A_6, %get3A_11 : vector<10112x128xf32>
    %get3A_12 = arith.constant 0 : index
    %get3A_13 = arith.constant 0 : index
    %get3A_14 = vector.load %arg1[%get3A_12, %get3A_13] : memref<10112x128xf32, #tpu.memory_space<vmem>>, vector<10112x128xf32>
    %add3A_15 = arith.addf %add3A, %get3A_14 : vector<10112x128xf32>
    %mul3A = vector.broadcast %get3A_1 : vector<10112x1xf32> to vector<10112x128xf32>
    %mul3A_16 = arith.mulf %mul3A, %add3A_15 : vector<10112x128xf32>
    %get3A_17 = arith.constant 0 : index
    %get3A_18 = arith.constant 0 : index
    %get3A_19 = vector.load %arg4[%get3A_17, %get3A_18] : memref<1x128xf32, #tpu.memory_space<vmem>>, vector<1x128xf32>
    %add3A_20 = vector.broadcast %get3A_19 : vector<1x128xf32> to vector<10112x128xf32>
    %add3A_21 = arith.addf %mul3A_16, %add3A_20 : vector<10112x128xf32>
    %max3A = arith.constant 0.000000e+00 : f32
    %max3A_22 = vector.broadcast %max3A : f32 to vector<10112x128xf32>
    %max3A_23 = arith.maximumf %add3A_21, %max3A_22 : vector<10112x128xf32>
    %iota3A = tpu.iota {dimensions = array<i32: 0>} : vector<10112x128xi32>
    %lt3A = arith.constant 10000 : i32
    %lt3A_24 = vector.broadcast %lt3A : i32 to vector<10112x128xi32>
    %lt3A_25 = arith.cmpi slt, %iota3A, %lt3A_24 : vector<10112x128xi32>
    %jit3A = arith.constant 0.000000e+00 : f32
    %broadcast_in_dim3A = vector.broadcast %jit3A : f32 to vector<10112x128xf32>
    %select_n3A = arith.select %lt3A_25, %max3A_23, %broadcast_in_dim3A : vector<10112x128xi1>, vector<10112x128xf32>
    %get3A_26 = arith.constant 0 : index
    %get3A_27 = arith.constant 0 : index
    %get3A_28 = vector.load %arg3[%get3A_26, %get3A_27] : memref<128x128xf32, #tpu.memory_space<vmem>>, vector<128x128xf32>
    %dot_general3A = arith.constant dense<0.000000e+00> : vector<10112x128xf32>
    %dot_general3A_29 = tpu.matmul %select_n3A, %get3A_28, %dot_general3A {dimension_numbers = #tpu.dot_dimension_numbers<[1], [0], [0], [1], [0, 0, 1, 1], [], []>, transpose_lhs_hint = false} : vector<10112x128xf32>, vector<128x128xf32>, vector<10112x128xf32> -> vector<10112x128xf32>
    %mul3A_30 = vector.broadcast %get3A_1 : vector<10112x1xf32> to vector<10112x128xf32>
    %mul3A_31 = arith.mulf %dot_general3A_29, %mul3A_30 : vector<10112x128xf32>
    %swap3A = arith.constant 0 : index
    %swap3A_32 = arith.constant 0 : index
    %swap3A_33 = vector.load %arg5[%swap3A, %swap3A_32] : memref<10112x128xf32, #tpu.memory_space<vmem>>, vector<10112x128xf32>
    tpu.vector_store %arg5[%swap3A, %swap3A_32], %mul3A_31 {strides = array<i32>} : memref<10112x128xf32, #tpu.memory_space<vmem>>, vector<10112x128xf32>,
    return
  }
}

module attributes {stable_mosaic.version = 14 : i64} {
  func.func @_tc3_body(%arg0: memref<2x10112x128xf32, #tpu.memory_space<vmem>>, %arg1: memref<10112x128xf32, #tpu.memory_space<vmem>>, %arg2: memref<10112x1xf32, #tpu.memory_space<vmem>>, %arg3: memref<1x128xf32, #tpu.memory_space<vmem>>, %arg4: memref<128x64xf32, #tpu.memory_space<vmem>>, %arg5: memref<1x64xf32, #tpu.memory_space<vmem>>, %arg6: memref<128x32xf32, #tpu.memory_space<vmem>>, %arg7: memref<1x32xf32, #tpu.memory_space<vmem>>, %arg8: memref<1x64xf32, #tpu.memory_space<vmem>>, %arg9: memref<1x32xf32, #tpu.memory_space<vmem>>) attributes {dimension_semantics = [], scalar_prefetch = 0 : i64, scratch_operands = 0 : i64, tpu.core_type = #tpu.core_type<tc>} {
    %get3A = arith.constant 0 : index
    %get3A_0 = arith.constant 0 : index
    %get3A_1 = vector.load %arg2[%get3A, %get3A_0] : memref<10112x1xf32, #tpu.memory_space<vmem>>, vector<10112x1xf32>
    %get3A_2 = arith.constant 0 : index
    %get3A_3 = arith.constant 0 : index
    %get3A_4 = arith.constant 0 : index
    %get3A_5 = vector.load %arg0[%get3A_2, %get3A_3, %get3A_4] : memref<2x10112x128xf32, #tpu.memory_space<vmem>>, vector<1x10112x128xf32>
    %get3A_6 = vector.shape_cast %get3A_5 : vector<1x10112x128xf32> to vector<10112x128xf32>
    %get3A_7 = arith.constant 1 : index
    %get3A_8 = arith.constant 0 : index
    %get3A_9 = arith.constant 0 : index
    %get3A_10 = vector.load %arg0[%get3A_7, %get3A_8, %get3A_9] : memref<2x10112x128xf32, #tpu.memory_space<vmem>>, vector<1x10112x128xf32>
    %get3A_11 = vector.shape_cast %get3A_10 : vector<1x10112x128xf32> to vector<10112x128xf32>
    %add3A = arith.addf %get3A_6, %get3A_11 : vector<10112x128xf32>
    %get3A_12 = arith.constant 0 : index
    %get3A_13 = arith.constant 0 : index
    %get3A_14 = vector.load %arg1[%get3A_12, %get3A_13] : memref<10112x128xf32, #tpu.memory_space<vmem>>, vector<10112x128xf32>
    %add3A_15 = arith.addf %add3A, %get3A_14 : vector<10112x128xf32>
    %mul3A = vector.broadcast %get3A_1 : vector<10112x1xf32> to vector<10112x128xf32>
    %mul3A_16 = arith.mulf %mul3A, %add3A_15 : vector<10112x128xf32>
    %get3A_17 = arith.constant 0 : index
    %get3A_18 = arith.constant 0 : index
    %get3A_19 = vector.load %arg3[%get3A_17, %get3A_18] : memref<1x128xf32, #tpu.memory_space<vmem>>, vector<1x128xf32>
    %add3A_20 = vector.broadcast %get3A_19 : vector<1x128xf32> to vector<10112x128xf32>
    %add3A_21 = arith.addf %mul3A_16, %add3A_20 : vector<10112x128xf32>
    %max3A = arith.constant 0.000000e+00 : f32
    %max3A_22 = vector.broadcast %max3A : f32 to vector<10112x128xf32>
    %max3A_23 = arith.maximumf %add3A_21, %max3A_22 : vector<10112x128xf32>
    %iota3A = tpu.iota {dimensions = array<i32: 0>} : vector<10112x128xi32>
    %lt3A = arith.constant 10000 : i32
    %lt3A_24 = vector.broadcast %lt3A : i32 to vector<10112x128xi32>
    %lt3A_25 = arith.cmpi slt, %iota3A, %lt3A_24 : vector<10112x128xi32>
    %jit3A = arith.constant 0.000000e+00 : f32
    %broadcast_in_dim3A = vector.broadcast %jit3A : f32 to vector<10112x128xf32>
    %select_n3A = arith.select %lt3A_25, %max3A_23, %broadcast_in_dim3A : vector<10112x128xi1>, vector<10112x128xf32>
    %reduce_sum3A = arith.constant dense<0.000000e+00> : vector<128xf32>
    %reduce_sum3A_26 = vector.multi_reduction <add>, %select_n3A, %reduce_sum3A [0] : vector<10112x128xf32> to vector<128xf32>
    %broadcast_in_dim3A_27 = vector.shape_cast %reduce_sum3A_26 : vector<128xf32> to vector<1x128xf32>
    %mul3A_28 = arith.constant 9.99999974E-5 : f32
    %mul3A_29 = vector.broadcast %mul3A_28 : f32 to vector<1x128xf32>
    %mul3A_30 = arith.mulf %broadcast_in_dim3A_27, %mul3A_29 : vector<1x128xf32>
    %get3A_31 = arith.constant 0 : index
    %get3A_32 = arith.constant 0 : index
    %get3A_33 = vector.load %arg4[%get3A_31, %get3A_32] : memref<128x64xf32, #tpu.memory_space<vmem>>, vector<128x64xf32>
    %dot_general3A = arith.constant dense<0.000000e+00> : vector<1x64xf32>
    %dot_general3A_34 = tpu.matmul %mul3A_30, %get3A_33, %dot_general3A {dimension_numbers = #tpu.dot_dimension_numbers<[1], [0], [0], [1], [0, 0, 1, 1], [], []>, transpose_lhs_hint = false} : vector<1x128xf32>, vector<128x64xf32>, vector<1x64xf32> -> vector<1x64xf32>
    %get3A_35 = arith.constant 0 : index
    %get3A_36 = arith.constant 0 : index
    %get3A_37 = vector.load %arg5[%get3A_35, %get3A_36] : memref<1x64xf32, #tpu.memory_space<vmem>>, vector<1x64xf32>
    %add3A_38 = arith.addf %dot_general3A_34, %get3A_37 : vector<1x64xf32>
    %get3A_39 = arith.constant 0 : index
    %get3A_40 = arith.constant 0 : index
    %get3A_41 = vector.load %arg6[%get3A_39, %get3A_40] : memref<128x32xf32, #tpu.memory_space<vmem>>, vector<128x32xf32>
    %dot_general3A_42 = arith.constant dense<0.000000e+00> : vector<1x32xf32>
    %dot_general3A_43 = tpu.matmul %mul3A_30, %get3A_41, %dot_general3A_42 {dimension_numbers = #tpu.dot_dimension_numbers<[1], [0], [0], [1], [0, 0, 1, 1], [], []>, transpose_lhs_hint = false} : vector<1x128xf32>, vector<128x32xf32>, vector<1x32xf32> -> vector<1x32xf32>
    %get3A_44 = arith.constant 0 : index
    %get3A_45 = arith.constant 0 : index
    %get3A_46 = vector.load %arg7[%get3A_44, %get3A_45] : memref<1x32xf32, #tpu.memory_space<vmem>>, vector<1x32xf32>
    %add3A_47 = arith.addf %dot_general3A_43, %get3A_46 : vector<1x32xf32>
    %reduce_max3A = arith.constant dense<0xFF800000> : vector<1xf32>
    %reduce_max3A_48 = vector.multi_reduction <maximumf>, %add3A_38, %reduce_max3A [1] : vector<1x64xf32> to vector<1xf32>
    %broadcast_in_dim3A_49 = vector.shape_cast %reduce_max3A_48 : vector<1xf32> to vector<1x1xf32>
    %sub3A = vector.broadcast %broadcast_in_dim3A_49 : vector<1x1xf32> to vector<1x64xf32>
    %sub3A_50 = arith.subf %add3A_38, %sub3A : vector<1x64xf32>
    %exp3A = math.exp %sub3A_50 : vector<1x64xf32>
    %reduce_max3A_51 = arith.constant dense<0xFF800000> : vector<1xf32>
    %reduce_max3A_52 = vector.multi_reduction <maximumf>, %add3A_47, %reduce_max3A_51 [1] : vector<1x32xf32> to vector<1xf32>
    %broadcast_in_dim3A_53 = vector.shape_cast %reduce_max3A_52 : vector<1xf32> to vector<1x1xf32>
    %sub3A_54 = vector.broadcast %broadcast_in_dim3A_53 : vector<1x1xf32> to vector<1x32xf32>
    %sub3A_55 = arith.subf %add3A_47, %sub3A_54 : vector<1x32xf32>
    %exp3A_56 = math.exp %sub3A_55 : vector<1x32xf32>
    %reduce_sum3A_57 = arith.constant dense<0.000000e+00> : vector<1xf32>
    %reduce_sum3A_58 = vector.multi_reduction <add>, %exp3A, %reduce_sum3A_57 [1] : vector<1x64xf32> to vector<1xf32>
    %broadcast_in_dim3A_59 = vector.shape_cast %reduce_sum3A_58 : vector<1xf32> to vector<1x1xf32>
    %div3A = vector.broadcast %broadcast_in_dim3A_59 : vector<1x1xf32> to vector<1x64xf32>
    %div3A_60 = arith.divf %exp3A, %div3A : vector<1x64xf32>
    %swap3A = arith.constant 0 : index
    %swap3A_61 = arith.constant 0 : index
    %swap3A_62 = vector.load %arg8[%swap3A, %swap3A_61] : memref<1x64xf32, #tpu.memory_space<vmem>>, vector<1x64xf32>
    tpu.vector_store %arg8[%swap3A, %swap3A_61], %div3A_60 {strides = array<i32>} : memref<1x64xf32, #tpu.memory_space<vmem>>, vector<1x64xf32>,
    %reduce_sum3A_63 = arith.constant dense<0.000000e+00> : vector<1xf32>
    %reduce_sum3A_64 = vector.multi_reduction <add>, %exp3A_56, %reduce_sum3A_63 [1] : vector<1x32xf32> to vector<1xf32>
    %broadcast_in_dim3A_65 = vector.shape_cast %reduce_sum3A_64 : vector<1xf32> to vector<1x1xf32>
    %div3A_66 = vector.broadcast %broadcast_in_dim3A_65 : vector<1x1xf32> to vector<1x32xf32>
    %div3A_67 = arith.divf %exp3A_56, %div3A_66 : vector<1x32xf32>
    %swap3A_68 = arith.constant 0 : index
    %swap3A_69 = arith.constant 0 : index
    %swap3A_70 = vector.load %arg9[%swap3A_68, %swap3A_69] : memref<1x32xf32, #tpu.memory_space<vmem>>, vector<1x32xf32>
    tpu.vector_store %arg9[%swap3A_68, %swap3A_69], %div3A_67 {strides = array<i32>} : memref<1x32xf32, #tpu.memory_space<vmem>>, vector<1x32xf32>,
    return
  }
}

</mosaic_0001>

<sc_bundles>
// kernel: kernel.11.cloned.1.call-start
scs
__scs_entry_jumppad:
0x0: {  	(pc) =	sbr.rel $0x88, $3  }
0x1: {  	(tag) =	ssettag $0x0;
	lr =	simm.s32 $0x1  }
0x2: {  	[smem:$0x3F97] =	sst lr;
	_ =	strace $0xD0000000  }
0x3: {  	_ = 	snop  }
0x4: {  	_ = 	snop  }
0x5: {  	_ = 	snop  }
0x6: {  	_ = 	snop  }
0x7: {  	_ = 	snop  }
__scs_overlays_trampoline_lowered:
0x8: {  	[smem:$0x3FA6] =	sst s0  }
0x9: {  	[smem:$0x3FA7] =	sst s1  }
0xa: {  	[smem:$0x3FA8] =	sst s2  }
0xb: {  	[smem:$0x3FA9] =	sst s3  }
0xc: {  	[smem:$0x3FAA] =	sst s4  }
0xd: {  	[smem:$0x3FAB] =	sst s5  }
0xe: {  	[smem:$0x3FAC] =	sst s6  }
0xf: {  	[smem:$0x3FAD] =	sst s7  }
0x10: {  	[smem:$0x3FAE] =	sst s8  }
0x11: {  	[smem:$0x3FAF] =	sst s9;
	s0 =	simm.s32 @!p0 $0x0  }
0x12: {  	s1 =	sld [smem:$0x3F95];
	s0 =	simm.s32 @p0 $0x1  }
0x13: {  	[smem:$0x3FB0] =	sst s0;
	s0 =	simm.s32 @!p1 $0x0  }
0x14: {  	s2 =	sld [smem:$0x3F94];
	s0 =	simm.s32 @p1 $0x1  }
0x15: {  	[smem:$0x3FB1] =	sst s0;
	s0 =	simm.s32 @!p2 $0x0  }
0x16: {  	s3 =	sld [smem:$0x3FDB];
	s0 =	simm.s32 @p2 $0x1  }
0x17: {  	s4 =	simm.s32 $0x1BF5;
	[smem:$0x3FB3] =	sst s0  }
0x18: {  	s0 =	sld [smem:$0x3F96];
	_ =	swait.ge [sflag:s4], $0x0  }
0x19: {  	s7 =	sld [smem:$0x3F97]  }
0x1a: {  	s8 =	sadd.s32 $0xFFFFE003, lr  }
0x1b: {  	s9 =	sadd.s32 $0xFFFFFEF7, lr;
	s5 =	simm.s32 $0xFFFFFFFF;
	p2 =	slt.u32 s8, $0xFFFFF086  }
0x1c: {  	p1 =	slt.u32 s9, $0xF7A;
	s5 =	simm.s32 @!p2 $0x0  }
0x1d: {  	s5 =	simm.s32 @p1 $0x1;
	p0 =	seq.s32 s7, s2  }
0x1e: {  	s7 =	smul.u32 @!p0 $0xF7A, s2;
	p2 =	seq.s32 @!p0 s5, $0x0  }
0x1f: {  	s9 =	smul.u32 $0xF7A, s1;
	s8 =	simm.s32 @!p0 $0x1BF5;
	p2 =	por !p2, p0  }
0x20: {  	[sflag:s8] =	ssyncset.s32 @!p0 $0xFFFFF086;
	s6 =	sadd.s32 @!p0 s3, s7;
	s7 =	simm.s32 @!p0 $0x108  }
0x21: {  	s3 =	sadd.s32 s3, s9;
	s6 =	sadd.s32 @!p0 $0x88, s6;
	s7 =	simm.s32 @p2 $0x1082  }
0x22: {  	[simem:s7], [sflag:s8] =	dma.local @!p0 [hbm:s6], $0xF7A  }
0x23: {  	s9 =	sor.u32 $0xD0000000, s2;
	s6 =	simm.s32 $0x108;
	_ =	swait.ge @!p0 [sflag:s8], $0x0  }
0x24: {  	s3 =	sadd.s32 $0x88, s3;
	s6 =	simm.s32 @!p1 $0x1082;
	[sflag:s4] =	ssyncset.s32 $0xFFFFF086  }
0x25: {  	[simem:s6], [sflag:s4] =	dma.local [hbm:s3], $0xF7A  }
0x26: {  	[smem:$0x3F97] =	sst s1;
	(tag) =	ssettag s2;
	_ =	strace s9  }
0x27: {  	s1 =	sld [smem:$0x3FA7]  }
0x28: {  	s2 =	sld [smem:$0x3FA8]  }
0x29: {  	s4 =	sld [smem:$0x3FAA]  }
0x2a: {  	p0 =	seq.s32 s5, $0x0;
	s5 =	sld [smem:$0x3FAB]  }
0x2b: {  	s6 =	sld [smem:$0x3FAC]  }
0x2c: {  	s7 =	sld [smem:$0x3FAD]  }
0x2d: {  	s3 =	simm.s32 $0x108;
	s8 =	sld [smem:$0x3FAE]  }
0x2e: {  	s3 =	simm.s32 @!p0 $0x1082;
	s9 =	sld [smem:$0x3FAF]  }
0x2f: {  	lr =	sadd.s32 s0, s3;
	s0 =	sld [smem:$0x3FA6]  }
0x30: {  	s3 =	sld [smem:$0x3FA9]  }
0x31: {  	[smem:$0x3FB2] =	sst s10  }
0x32: {  	s10 =	sld [smem:$0x3FB0];
	_ =	sdelay $0x3  }
0x33: {  	p0 =	seq.s32 s10, $0x1;
	s10 =	sld [smem:$0x3FB2];
	_ =	sdelay $0x3  }
0x34: {  	[smem:$0x3FB2] =	sst s10  }
0x35: {  	s10 =	sld [smem:$0x3FB1];
	_ =	sdelay $0x3  }
0x36: {  	p1 =	seq.s32 s10, $0x1;
	s10 =	sld [smem:$0x3FB2];
	_ =	sdelay $0x3  }
0x37: {  	[smem:$0x3FB2] =	sst s10  }
0x38: {  	s10 =	sld [smem:$0x3FB3]  }
0x39: {  	_ = 	snop;
	(pc) =	sbr.ind lr, $3  }
0x3a: {  	_ = 	snop  }
0x3b: {  	_ = 	snop  }
0x3c: {  	p2 =	seq.s32 s10, $0x1;
	s10 =	sld [smem:$0x3FB2]  }
0x3d: {  	_ =	shalt  }
0x3e: {  	_ =	shalt  }
0x3f: {  	_ =	shalt  }
0x40: {  	_ =	shalt  }
0x41: {  	_ =	shalt  }
0x42: {  	_ =	shalt  }
0x43: {  	_ =	shalt  }
0x44: {  	_ =	shalt  }
0x45: {  	_ =	shalt  }
0x46: {  	_ =	shalt  }
0x47: {  	_ =	shalt  }
0x48: {  	_ =	shalt  }
0x49: {  	_ =	shalt  }
0x4a: {  	_ =	shalt  }
0x4b: {  	_ =	shalt  }
0x4c: {  	_ =	shalt  }
0x4d: {  	_ =	shalt  }
0x4e: {  	_ =	shalt  }
0x4f: {  	_ =	shalt  }
0x50: {  	_ =	shalt  }
0x51: {  	_ =	shalt  }
0x52: {  	_ =	shalt  }
0x53: {  	_ =	shalt  }
0x54: {  	_ =	shalt  }
0x55: {  	_ =	shalt  }
0x56: {  	_ =	shalt  }
0x57: {  	_ =	shalt  }
0x58: {  	_ =	shalt  }
0x59: {  	_ =	shalt  }
0x5a: {  	_ =	shalt  }
0x5b: {  	_ =	shalt  }
0x5c: {  	_ =	shalt  }
0x5d: {  	_ =	shalt  }
0x5e: {  	_ =	shalt  }
0x5f: {  	_ =	shalt  }
0x60: {  	_ =	shalt  }
0x61: {  	_ =	shalt  }
0x62: {  	_ =	shalt  }
0x63: {  	_ =	shalt  }
0x64: {  	_ =	shalt  }
0x65: {  	_ =	shalt  }
0x66: {  	_ =	shalt  }
0x67: {  	_ =	shalt  }
0x68: {  	_ =	shalt  }
0x69: {  	_ =	shalt  }
0x6a: {  	_ =	shalt  }
0x6b: {  	_ =	shalt  }
0x6c: {  	_ =	shalt  }
0x6d: {  	_ =	shalt  }
0x6e: {  	_ =	shalt  }
0x6f: {  	_ =	shalt  }
0x70: {  	_ =	shalt  }
0x71: {  	_ =	shalt  }
0x72: {  	_ =	shalt  }
0x73: {  	_ =	shalt  }
0x74: {  	_ =	shalt  }
0x75: {  	_ =	shalt  }
0x76: {  	_ =	shalt  }
0x77: {  	_ =	shalt  }
0x78: {  	_ =	shalt  }
0x79: {  	_ =	shalt  }
0x7a: {  	_ =	shalt  }
0x7b: {  	_ =	shalt  }
0x7c: {  	_ =	shalt  }
0x7d: {  	_ =	shalt  }
0x7e: {  	_ =	shalt  }
0x7f: {  	_ =	shalt  }
0x80: {  	_ =	shalt  }
0x81: {  	_ =	shalt  }
0x82: {  	_ =	shalt  }
0x83: {  	_ =	shalt  }
0x84: {  	_ =	shalt  }
0x85: {  	_ =	shalt  }
0x86: {  	_ =	shalt  }
0x87: {  	_ =	shalt  }
.Lfunc_end0:
.L_simem_size_0:
called_computation.1_lowered:
.L_overlay_start_0:
0x88: {  	s2 =	sld [smem:$0x3FD9]  }
0x89: {  	s3 =	sld [smem:$0x3FFE];
	_ =	sdelay $0x1  }
0x8a: {  	s1 =	srdreg.scid  }
0x8b: {  	s0 =	sand.u32 $0x1, s1  }
0x8c: {  	s16 =	sshll.u32 s0, $0xA;
	s2 =	sadd.s32 s3, s2  }
0x8d: {  	s2 =	sadd.s32 s2, s16  }
0x8e: {  	[smem:$0x3FBE] =	sst s2  }
0x8f: {  	_ = 	snop  }
0x90: {  	(tm) =	ssettm $0x1  }
0x91: {  	s17 =	sld [smem:$0x3FFB];
	_ =	sdelay $0x3  }
0x92: {  	_ =	strace s17  }
0x93: {  	s2 =	sld [smem:$0x3FFC];
	_ =	sdelay $0x3  }
0x94: {  	_ =	strace s2  }
0x95: {  	s2 =	sld [smem:$0x3FFD];
	_ =	sdelay $0x3  }
0x96: {  	_ =	strace s2  }
0x97: {  	_ =	strace $0x8FFFFFFF  }
0x98: {  	s18 =	sld [smem:$0x3FDB];
	_ =	sdelay $0x1  }
0x99: {  	s19 =	simm.s32 $_scs_section_size  }
0x9a: {  	s4 =	simm.s32 $_size__tile_overlayer_lowered;
	s5 =	simm.s32 $_tile_overlayer_lowered  }
0x9b: {  	s22 =	simm.s32 $0x1BFF;
	s21 =	sshll.u32 s5, $0x1;
	s2 =	sadd.s32 s19, s18  }
0x9c: {  	s6 =	simm.s32 $0x0;
	s20 =	sshll.u32 s4, $0x1;
	s4 =	sadd.s32 s21, s2  }
0x9d: {  	[timem:s6], [sflag:s22] =	dma.local [hbm:s4], s20  }
0x9e: {  	_ =	swait.ge [sflag:s22], s20  }
0x9f: {  	s3 =	ssub.s32 $0x0, s20;
	[sflag:s22] =	ssyncset.done $0x0  }
0xa0: {  	[sflag:s22] =	ssyncadd.s32 s3;
	_ =	sdelay $0x1  }
0xa1: {  	s23 =	simm.s32 $0x1B8B  }
0xa2: {  	_ =	swait.ge [sflag:s23], $0x1  }
0xa3: {  	[sflag:s23] =	ssyncset.done $0x0  }
0xa4: {  	s25 =	simm.s32 $0x1B8E;
	s24 =	sld [smem:$0x3FFE];
	[sflag:s23] =	ssyncadd.s32 $0xFFFFFFFF  }
0xa5: {  	s26 =	simm.s32 $execute0_lowered;
	[smem:$0x3FD2] =	sst s25  }
0xa6: {  	s4 =	sshll.u32 s26, $0x1;
	_ =	strace $0x80000049;
	[dreg:$0x1] =	wrdreg $0xFFFFFFFF  }
0xa7: {  	s28 =	simm.s32 $_size_execute0_lowered;
	s2 =	sadd.s32 s2, s4;
	[dreg:$0x0] =	wrdreg $0x0  }
0xa8: {  	s4 =	sshll.u32 s28, $0x1;
	[dreg:$0x2] =	wrdreg s2  }
0xa9: {  	[dreg:$0x3] =	wrdreg s4  }
0xaa: {  	[dreg:$0x4] =	wrdreg $0xC0  }
0xab: {  	_ =	task [dreg:s6], $0x5FFFF  }
0xac: {  	[dreg:$0x1] =	wrdreg $0xFFFFFFFF  }
0xad: {  	[dreg:$0x0] =	wrdreg $0x60  }
0xae: {  	[dreg:$0x2] =	wrdreg s24  }
0xaf: {  	[dreg:$0x3] =	wrdreg $0x90000  }
0xb0: {  	[dreg:$0x4] =	wrdreg $0x9  }
0xb1: {  	_ =	task.clear_ibuf [dreg:s6], $0x5FFFF;
	_ =	strace $0x90000049  }
0xb2: {  	s29 =	simm.s32 $0x9;
	_ =	strace $0x8000004B  }
0xb3: {  	_ =	swait.ge [sflag:s29], $0x1  }
0xb4: {  	[sflag:s29] =	ssyncadd.s32 $0xFFFFFFFF  }
0xb5: {  	_ =	strace $0x9000004B  }
0xb6: {  	_ =	sfence  }
0xb7: {  	s30 =	sld [smem:$0x0];
	_ =	sdelay $0x2  }
0xb8: {  	s31 =	sshll.u32 s1, $0xD;
	s1 =	sshrl.u32 s1, $0x2  }
0xb9: {  	s3 =	sand.u32 $0x4000, s31;
	s1 =	sadd.s32 s1, s30  }
0xba: {  	s0 =	sor.u32 s3, s0;
	s1 =	sshll.u32 s1, $0x11  }
0xbb: {  	s0 =	sor.u32 s1, s0  }
0xbc: {  	s0 =	sadd.s32 $0x8F2B, s0  }
0xbd: {  	[sflag:s0] =	ssyncadd.remote.s32 $0x1  }
0xbe: {  	_ =	sfence.sel $0xFFFF  }
0xbf: {  	[dreg:$0x0] =	wrdreg $0xFFFFFFFF;
	(pc) =	sbr.abs _section_cstart, $3  }
0xc0: {  	[dreg:$0x1] =	wrdreg $0xFFFFFFFF  }
0xc1: {  	_ =	task.clear_ibuf [dreg:s6], $0x2FFFF;
	_ =	strace $0x9FFFFFFF  }
0xc2: {  	(tm) =	ssettm $0x7FFFFFFF  }
0xc3: {  	_ =	shalt  }
tec
execute0_lowered:
.L_overlay_start_1:
0x0: {  	(tag) =	ssettag $0x1  }
0x1: {  	s0 =	srdreg.scid;
	s6 =	rddreg [dreg:$0x0]  }
0x2: {  	s2 =	rddreg [dreg:$0x1];
	s3 =	simm.s32 $0x0;
	s14 =	simm.s32 $0x80  }
0x3: {  	s15 =	simm.s32 $0x5000;
	s5 =	sand.u32 $0x1, s0;
	s0 =	stileid.u32  }
0x4: {  	s16 =	simm.s32 $0x1;
	s17 =	simm.s32 $0x0;
	s8 =	smul.u32 $0x13C00, s0  }
0x5: {  	[smem:$0x7FF] =	sst s3;
	s1 =	sshll.u32 s5, $0x4;
	s9 =	smul.u32 $0x13C000, s5  }
0x6: {  	s5 =	ssub.s32 $0x2, s5;
	s29 =	smul.u32 $0x4F000, s0;
	s31 =	sshll.u32 s0, $0x6  }
0x7: {  	s4 =	sor.u32 s0, s1;
	s1 =	rddreg [dreg:$0x2];
	_ =	strace $0x8000004A  }
0x8: {  	s11 =	sshrl.u32 s5, $0x1;
	s7 =	smul.u32 $0x500, s4;
	s4 =	sadd.s32 $0x34800, s6  }
0x9: {  	s28 =	sshrl.u32 s8, $0x3;
	s8 =	sadd.s32 s8, s9;
	s30 =	sshrl.u32 s29, $0x2  }
0xa: {  	s11 =	ssub.s32 s5, s11;
	s8 =	sshrl.u32 s8, $0x3;
	s13 =	sadd.s32 s30, s2  }
0xb: {  	s10 =	sadd.s32 s7, s6;
	s7 =	sadd.s32 s28, s6;
	s12 =	sadd.s32 s8, s6  }
0xc: {  	s6 =	sor.u32 $0x1C02, s31;
	s5 =	sadd.s32 $0xD000, s7;
	s7 =	sadd.s32 $0x84000, s10  }
0xd: {  	s8 =	sadd.s32 $0x3000, s10;
	s9 =	sadd.s32 $0x8E000, s12;
	s10 =	smax.u32 s11, $0x1  }
0xe: {  	s11 =	sshrl.u32 s13, $0x3;
	s12 =	simm.s32 $0x2;
	s13 =	simm.s32 $0x2800  }
.LBB2_1:
0xf: {  	[spmem:s11], [sflag:s6] =	dma.local [hbm:s5], $0x2780  }
0x10: {  	_ =	swait.ge [sflag:s12], $0x2780  }
0x11: {  	[sflag:s12] =	ssyncset.done $0x0  }
0x12: {  	[sflag:s12] =	ssyncadd.s32 $0xFFFFD880  }
0x13: {  	[tilespmem:s3], [sflag:$0x2] =	stream.linear.gather [hbm4b:s7+s3], $0x2780, $0x38;
	[tilespmem:$0x1CC00] =	vst v63  }
0x14: {  	_ =	swait.ge [sflag:s12], $0x2780  }
0x15: {  	[sflag:s12] =	ssyncset.done $0x0  }
0x16: {  	[sflag:s12] =	ssyncadd.s32 $0xFFFFD880  }
0x17: {  	[tilespmem:s13], [sflag:$0x2] =	stream.linear.gather [hbm4b:s8+s3], $0x2780, $0x38;
	[tilespmem:$0x1CC00] =	vst v63  }
0x18: {  	_ =	swait.ge [sflag:s12], $0x2780  }
0x19: {  	[sflag:s12] =	ssyncset.done $0x0  }
0x1a: {  	[sflag:s12] =	ssyncadd.s32 $0xFFFFD880  }
0x1b: {  	s18 =	simm.s32 $0x0;
	[bflag:$0x0] =	sbarrier.arrive $0xFFFF  }
0x1c: {  	[tilespmem:s15], [sflag:$0x1] =	stream.indirect.gather [hbm4b:s4+s14], $0x80, s18, s14, $0xb8;
	[tilespmem:$0x1CC00] =	vst v63  }
0x1d: {  	_ =	swait.ge [sflag:s16], $0x4000  }
0x1e: {  	[sflag:s16] =	ssyncset.done $0x0  }
0x1f: {  	s31 =	simm.s32 $0x2800;
	[sflag:s16] =	ssyncadd.s32 $0xFFFFC000  }
0x20: {  	[spmem:s2] =	stream.indirect.scatter.add.f32 [tilespmem:s15], [sflag:$0x2], $0x80, s31, s14, $0xb8;
	[tilespmem:$0x1CC00] =	vst v63  }
0x21: {  	_ =	swait.ge [sflag:s12], $0x4000  }
0x22: {  	s19 =	simm.s32 $0x400;
	s18 =	simm.s32 $0x200;
	[sflag:s12] =	ssyncset.done $0x0  }
.LBB2_2:
0x23: {  	s20 =	sshra.s32 s18, $0x2  }
0x24: {  	[sflag:s12] =	ssyncadd.s32 $0xFFFFC000;
	s18 =	smov.u32 s19;
	s21 =	sadd.s32 $0x200, s19  }
0x25: {  	[tilespmem:s15], [sflag:$0x1] =	stream.indirect.gather [hbm4b:s4+s14], $0x80, s20, s14, $0xb8;
	[tilespmem:$0x1CC00] =	vst v63  }
0x26: {  	p0 =	sne.s32 s19, $0x9C00;
	_ =	swait.ge [sflag:s16], $0x4000  }
.Ltmp0:
0x27: {  	[sflag:s16] =	ssyncset.done $0x0;
	(pc) =	sbr.rel @p0 .LBB2_2-.Ltmp0, $4  }
0x28: {  	s19 =	sadd.s32 $0x2800, s20;
	[sflag:s16] =	ssyncadd.s32 $0xFFFFC000  }
0x29: {  	[spmem:s2] =	stream.indirect.scatter.add.f32 [tilespmem:s15], [sflag:$0x2], $0x80, s19, s14, $0xb8;
	[tilespmem:$0x1CC00] =	vst v63  }
0x2a: {  	_ =	swait.ge [sflag:s12], $0x4000  }
0x2b: {  	s19 =	smov.u32 s21;
	[sflag:s12] =	ssyncset.done $0x0  }
0x2c: {  	s18 =	sshra.s32 s18, $0x2;
	[sflag:s12] =	ssyncadd.s32 $0xFFFFC000  }
0x2d: {  	[tilespmem:s15], [sflag:$0x1] =	stream.indirect.gather [hbm4b:s4+s14], $0x80, s18, s14, $0xb8;
	[tilespmem:$0x1CC00] =	vst v63  }
0x2e: {  	_ =	swait.ge [sflag:s16], $0x4000  }
0x2f: {  	[sflag:s16] =	ssyncset.done $0x0  }
0x30: {  	s18 =	sadd.s32 $0x2800, s18;
	[sflag:s16] =	ssyncadd.s32 $0xFFFFC000  }
0x31: {  	[spmem:s2] =	stream.indirect.scatter.add.f32 [tilespmem:s15], [sflag:$0x2], $0x80, s18, s14, $0xb8;
	[tilespmem:$0x1CC00] =	vst v63  }
0x32: {  	_ =	swait.ge [sflag:s12], $0x4000  }
0x33: {  	s17 =	sadd.s32 $0x1, s17;
	[sflag:s12] =	ssyncset.done $0x0  }
0x34: {  	p0 =	sne.s32 s17, s10;
	[sflag:s12] =	ssyncadd.s32 $0xFFFFC000  }
.Ltmp1:
0x35: {  	[bflag:$0x0] =	sbarrier.arrive $0xFFFF;
	(pc) =	sbr.rel @p0 .LBB2_1-.Ltmp1, $4  }
0x36: {  	[hbm:s9], [sflag:s6] =	dma.local [spmem:s11], $0x2780  }
0x37: {  	_ =	swait.ge [sflag:s12], $0x2780  }
0x38: {  	[sflag:s12] =	ssyncset.done $0x0  }
0x39: {  	[sflag:s12] =	ssyncadd.s32 $0xFFFFD880  }
0x3a: {  	_ =	sfence.sel $0x180000  }
0x3b: {  	[bflag:$0x0] =	sbarrier.arrive $0xFFFF  }
0x3c: {  	p0 =	sne.s32 s0, $0x0;
	_ =	strace $0x9000004A  }
0x3d: {  	s0 =	sadd.s32 @!p0 $0x100000, s1;
	[bflag:$0x2] =	sbarrier.arrive $0xFFFF  }
0x3e: {  	[sflag:s0] =	ssyncadd.tile.s32 @!p0 $0x1;
	_ =	shalt  }
.Lfunc_end2:
_tile_overlayer_lowered:
.L_overlay_start_2:
0x3f: {  	(tag) =	ssettag $0x2  }
0x40: {  	s0 =	rddreg [dreg:$0x0];
	s2 =	stileid.u32  }
0x41: {  	s1 =	rddreg [dreg:$0x1];
	p0 =	sne.s32 s2, $0x0  }
0x42: {  	s3 =	rddreg [dreg:$0x2];
	[bflag:$0x3] =	sbarrier.arrive $0xFFFF;
	s2 =	simm.s32 @!p0 $0x1C02  }
0x43: {  	[timem:s3], [sflag:s2] =	dma.local @!p0 [hbm:s0], s1  }
0x44: {  	s0 =	simm.s32 @!p0 $0x2  }
0x45: {  	_ =	swait.ge @!p0 [sflag:s0], s1  }
0x46: {  	s1 =	ssub.s32 @!p0 $0x0, s1;
	[sflag:s0] =	ssyncset.done @!p0 $0x0  }
0x47: {  	[sflag:s0] =	ssyncadd.s32 @!p0 s1  }
0x48: {  	[bflag:$0x3] =	sbarrier.arrive $0xFFFF  }
0x49: {  	_ =	shalt  }

// kernel: kernel.14.cloned.1.call-start
scs
__scs_entry_jumppad:
0x0: {  	(pc) =	sbr.rel $0x88, $3  }
0x1: {  	(tag) =	ssettag $0x0;
	lr =	simm.s32 $0x1  }
0x2: {  	[smem:$0x3F97] =	sst lr;
	_ =	strace $0xD0000000  }
0x3: {  	_ = 	snop  }
0x4: {  	_ = 	snop  }
0x5: {  	_ = 	snop  }
0x6: {  	_ = 	snop  }
0x7: {  	_ = 	snop  }
__scs_overlays_trampoline_lowered:
0x8: {  	[smem:$0x3FA6] =	sst s0  }
0x9: {  	[smem:$0x3FA7] =	sst s1  }
0xa: {  	[smem:$0x3FA8] =	sst s2  }
0xb: {  	[smem:$0x3FA9] =	sst s3  }
0xc: {  	[smem:$0x3FAA] =	sst s4  }
0xd: {  	[smem:$0x3FAB] =	sst s5  }
0xe: {  	[smem:$0x3FAC] =	sst s6  }
0xf: {  	[smem:$0x3FAD] =	sst s7  }
0x10: {  	[smem:$0x3FAE] =	sst s8  }
0x11: {  	[smem:$0x3FAF] =	sst s9;
	s0 =	simm.s32 @!p0 $0x0  }
0x12: {  	s1 =	sld [smem:$0x3F95];
	s0 =	simm.s32 @p0 $0x1  }
0x13: {  	[smem:$0x3FB0] =	sst s0;
	s0 =	simm.s32 @!p1 $0x0  }
0x14: {  	s2 =	sld [smem:$0x3F94];
	s0 =	simm.s32 @p1 $0x1  }
0x15: {  	[smem:$0x3FB1] =	sst s0;
	s0 =	simm.s32 @!p2 $0x0  }
0x16: {  	s3 =	sld [smem:$0x3FDB];
	s0 =	simm.s32 @p2 $0x1  }
0x17: {  	s4 =	simm.s32 $0x1BF5;
	[smem:$0x3FB3] =	sst s0  }
0x18: {  	s0 =	sld [smem:$0x3F96];
	_ =	swait.ge [sflag:s4], $0x0  }
0x19: {  	s7 =	sld [smem:$0x3F97]  }
0x1a: {  	s8 =	sadd.s32 $0xFFFFE003, lr  }
0x1b: {  	s9 =	sadd.s32 $0xFFFFFEF7, lr;
	s5 =	simm.s32 $0xFFFFFFFF;
	p2 =	slt.u32 s8, $0xFFFFF086  }
0x1c: {  	p1 =	slt.u32 s9, $0xF7A;
	s5 =	simm.s32 @!p2 $0x0  }
0x1d: {  	s5 =	simm.s32 @p1 $0x1;
	p0 =	seq.s32 s7, s2  }
0x1e: {  	s7 =	smul.u32 @!p0 $0xF7A, s2;
	p2 =	seq.s32 @!p0 s5, $0x0  }
0x1f: {  	s9 =	smul.u32 $0xF7A, s1;
	s8 =	simm.s32 @!p0 $0x1BF5;
	p2 =	por !p2, p0  }
0x20: {  	[sflag:s8] =	ssyncset.s32 @!p0 $0xFFFFF086;
	s6 =	sadd.s32 @!p0 s3, s7;
	s7 =	simm.s32 @!p0 $0x108  }
0x21: {  	s3 =	sadd.s32 s3, s9;
	s6 =	sadd.s32 @!p0 $0x88, s6;
	s7 =	simm.s32 @p2 $0x1082  }
0x22: {  	[simem:s7], [sflag:s8] =	dma.local @!p0 [hbm:s6], $0xF7A  }
0x23: {  	s9 =	sor.u32 $0xD0000000, s2;
	s6 =	simm.s32 $0x108;
	_ =	swait.ge @!p0 [sflag:s8], $0x0  }
0x24: {  	s3 =	sadd.s32 $0x88, s3;
	s6 =	simm.s32 @!p1 $0x1082;
	[sflag:s4] =	ssyncset.s32 $0xFFFFF086  }
0x25: {  	[simem:s6], [sflag:s4] =	dma.local [hbm:s3], $0xF7A  }
0x26: {  	[smem:$0x3F97] =	sst s1;
	(tag) =	ssettag s2;
	_ =	strace s9  }
0x27: {  	s1 =	sld [smem:$0x3FA7]  }
0x28: {  	s2 =	sld [smem:$0x3FA8]  }
0x29: {  	s4 =	sld [smem:$0x3FAA]  }
0x2a: {  	p0 =	seq.s32 s5, $0x0;
	s5 =	sld [smem:$0x3FAB]  }
0x2b: {  	s6 =	sld [smem:$0x3FAC]  }
0x2c: {  	s7 =	sld [smem:$0x3FAD]  }
0x2d: {  	s3 =	simm.s32 $0x108;
	s8 =	sld [smem:$0x3FAE]  }
0x2e: {  	s3 =	simm.s32 @!p0 $0x1082;
	s9 =	sld [smem:$0x3FAF]  }
0x2f: {  	lr =	sadd.s32 s0, s3;
	s0 =	sld [smem:$0x3FA6]  }
0x30: {  	s3 =	sld [smem:$0x3FA9]  }
0x31: {  	[smem:$0x3FB2] =	sst s10  }
0x32: {  	s10 =	sld [smem:$0x3FB0];
	_ =	sdelay $0x3  }
0x33: {  	p0 =	seq.s32 s10, $0x1;
	s10 =	sld [smem:$0x3FB2];
	_ =	sdelay $0x3  }
0x34: {  	[smem:$0x3FB2] =	sst s10  }
0x35: {  	s10 =	sld [smem:$0x3FB1];
	_ =	sdelay $0x3  }
0x36: {  	p1 =	seq.s32 s10, $0x1;
	s10 =	sld [smem:$0x3FB2];
	_ =	sdelay $0x3  }
0x37: {  	[smem:$0x3FB2] =	sst s10  }
0x38: {  	s10 =	sld [smem:$0x3FB3]  }
0x39: {  	_ = 	snop;
	(pc) =	sbr.ind lr, $3  }
0x3a: {  	_ = 	snop  }
0x3b: {  	_ = 	snop  }
0x3c: {  	p2 =	seq.s32 s10, $0x1;
	s10 =	sld [smem:$0x3FB2]  }
0x3d: {  	_ =	shalt  }
0x3e: {  	_ =	shalt  }
0x3f: {  	_ =	shalt  }
0x40: {  	_ =	shalt  }
0x41: {  	_ =	shalt  }
0x42: {  	_ =	shalt  }
0x43: {  	_ =	shalt  }
0x44: {  	_ =	shalt  }
0x45: {  	_ =	shalt  }
0x46: {  	_ =	shalt  }
0x47: {  	_ =	shalt  }
0x48: {  	_ =	shalt  }
0x49: {  	_ =	shalt  }
0x4a: {  	_ =	shalt  }
0x4b: {  	_ =	shalt  }
0x4c: {  	_ =	shalt  }
0x4d: {  	_ =	shalt  }
0x4e: {  	_ =	shalt  }
0x4f: {  	_ =	shalt  }
0x50: {  	_ =	shalt  }
0x51: {  	_ =	shalt  }
0x52: {  	_ =	shalt  }
0x53: {  	_ =	shalt  }
0x54: {  	_ =	shalt  }
0x55: {  	_ =	shalt  }
0x56: {  	_ =	shalt  }
0x57: {  	_ =	shalt  }
0x58: {  	_ =	shalt  }
0x59: {  	_ =	shalt  }
0x5a: {  	_ =	shalt  }
0x5b: {  	_ =	shalt  }
0x5c: {  	_ =	shalt  }
0x5d: {  	_ =	shalt  }
0x5e: {  	_ =	shalt  }
0x5f: {  	_ =	shalt  }
0x60: {  	_ =	shalt  }
0x61: {  	_ =	shalt  }
0x62: {  	_ =	shalt  }
0x63: {  	_ =	shalt  }
0x64: {  	_ =	shalt  }
0x65: {  	_ =	shalt  }
0x66: {  	_ =	shalt  }
0x67: {  	_ =	shalt  }
0x68: {  	_ =	shalt  }
0x69: {  	_ =	shalt  }
0x6a: {  	_ =	shalt  }
0x6b: {  	_ =	shalt  }
0x6c: {  	_ =	shalt  }
0x6d: {  	_ =	shalt  }
0x6e: {  	_ =	shalt  }
0x6f: {  	_ =	shalt  }
0x70: {  	_ =	shalt  }
0x71: {  	_ =	shalt  }
0x72: {  	_ =	shalt  }
0x73: {  	_ =	shalt  }
0x74: {  	_ =	shalt  }
0x75: {  	_ =	shalt  }
0x76: {  	_ =	shalt  }
0x77: {  	_ =	shalt  }
0x78: {  	_ =	shalt  }
0x79: {  	_ =	shalt  }
0x7a: {  	_ =	shalt  }
0x7b: {  	_ =	shalt  }
0x7c: {  	_ =	shalt  }
0x7d: {  	_ =	shalt  }
0x7e: {  	_ =	shalt  }
0x7f: {  	_ =	shalt  }
0x80: {  	_ =	shalt  }
0x81: {  	_ =	shalt  }
0x82: {  	_ =	shalt  }
0x83: {  	_ =	shalt  }
0x84: {  	_ =	shalt  }
0x85: {  	_ =	shalt  }
0x86: {  	_ =	shalt  }
0x87: {  	_ =	shalt  }
.Lfunc_end0:
.L_simem_size_0:
called_computation.2_lowered:
.L_overlay_start_0:
0x88: {  	s2 =	sld [smem:$0x3FD9]  }
0x89: {  	s3 =	sld [smem:$0x3FFE];
	_ =	sdelay $0x1  }
0x8a: {  	s1 =	srdreg.scid  }
0x8b: {  	s0 =	sand.u32 $0x1, s1  }
0x8c: {  	s16 =	sshll.u32 s0, $0xA;
	s2 =	sadd.s32 s3, s2  }
0x8d: {  	s2 =	sadd.s32 s2, s16  }
0x8e: {  	[smem:$0x3FBE] =	sst s2  }
0x8f: {  	_ = 	snop  }
0x90: {  	(tm) =	ssettm $0x1  }
0x91: {  	s17 =	sld [smem:$0x3FFB];
	_ =	sdelay $0x3  }
0x92: {  	_ =	strace s17  }
0x93: {  	s2 =	sld [smem:$0x3FFC];
	_ =	sdelay $0x3  }
0x94: {  	_ =	strace s2  }
0x95: {  	s2 =	sld [smem:$0x3FFD];
	_ =	sdelay $0x3  }
0x96: {  	_ =	strace s2  }
0x97: {  	_ =	strace $0x8FFFFFFF  }
0x98: {  	s18 =	sld [smem:$0x3FDB];
	_ =	sdelay $0x1  }
0x99: {  	s19 =	simm.s32 $_scs_section_size  }
0x9a: {  	s4 =	simm.s32 $_size__tile_overlayer_lowered;
	s5 =	simm.s32 $_tile_overlayer_lowered  }
0x9b: {  	s22 =	simm.s32 $0x1BFF;
	s21 =	sshll.u32 s5, $0x1;
	s2 =	sadd.s32 s19, s18  }
0x9c: {  	s6 =	simm.s32 $0x0;
	s20 =	sshll.u32 s4, $0x1;
	s4 =	sadd.s32 s21, s2  }
0x9d: {  	[timem:s6], [sflag:s22] =	dma.local [hbm:s4], s20  }
0x9e: {  	_ =	swait.ge [sflag:s22], s20  }
0x9f: {  	s3 =	ssub.s32 $0x0, s20;
	[sflag:s22] =	ssyncset.done $0x0  }
0xa0: {  	[sflag:s22] =	ssyncadd.s32 s3;
	_ =	sdelay $0x1  }
0xa1: {  	s23 =	simm.s32 $0x1B8B  }
0xa2: {  	_ =	swait.ge [sflag:s23], $0x1  }
0xa3: {  	[sflag:s23] =	ssyncset.done $0x0  }
0xa4: {  	s25 =	simm.s32 $0x1B8E;
	s24 =	sld [smem:$0x3FFE];
	[sflag:s23] =	ssyncadd.s32 $0xFFFFFFFF  }
0xa5: {  	s26 =	simm.s32 $execute0_lowered;
	[smem:$0x3FD2] =	sst s25  }
0xa6: {  	s4 =	sshll.u32 s26, $0x1;
	_ =	strace $0x8000004C;
	[dreg:$0x1] =	wrdreg $0xFFFFFFFF  }
0xa7: {  	s28 =	simm.s32 $_size_execute0_lowered;
	s2 =	sadd.s32 s2, s4;
	[dreg:$0x0] =	wrdreg $0x0  }
0xa8: {  	s4 =	sshll.u32 s28, $0x1;
	[dreg:$0x2] =	wrdreg s2  }
0xa9: {  	[dreg:$0x3] =	wrdreg s4  }
0xaa: {  	[dreg:$0x4] =	wrdreg $0xC0  }
0xab: {  	_ =	task [dreg:s6], $0x5FFFF  }
0xac: {  	[dreg:$0x1] =	wrdreg $0xFFFFFFFF  }
0xad: {  	[dreg:$0x0] =	wrdreg $0x60  }
0xae: {  	[dreg:$0x2] =	wrdreg s24  }
0xaf: {  	[dreg:$0x3] =	wrdreg $0x90000  }
0xb0: {  	[dreg:$0x4] =	wrdreg $0x9  }
0xb1: {  	_ =	task.clear_ibuf [dreg:s6], $0x5FFFF;
	_ =	strace $0x9000004C  }
0xb2: {  	s29 =	simm.s32 $0x9;
	_ =	strace $0x8000004E  }
0xb3: {  	_ =	swait.ge [sflag:s29], $0x1  }
0xb4: {  	[sflag:s29] =	ssyncadd.s32 $0xFFFFFFFF  }
0xb5: {  	_ =	strace $0x9000004E  }
0xb6: {  	_ =	sfence  }
0xb7: {  	s30 =	sld [smem:$0x0];
	_ =	sdelay $0x2  }
0xb8: {  	s31 =	sshll.u32 s1, $0xD;
	s1 =	sshrl.u32 s1, $0x2  }
0xb9: {  	s3 =	sand.u32 $0x4000, s31;
	s1 =	sadd.s32 s1, s30  }
0xba: {  	s0 =	sor.u32 s3, s0;
	s1 =	sshll.u32 s1, $0x11  }
0xbb: {  	s0 =	sor.u32 s1, s0  }
0xbc: {  	s0 =	sadd.s32 $0x8F2B, s0  }
0xbd: {  	[sflag:s0] =	ssyncadd.remote.s32 $0x1  }
0xbe: {  	_ =	sfence.sel $0xFFFF  }
0xbf: {  	[dreg:$0x0] =	wrdreg $0xFFFFFFFF;
	(pc) =	sbr.abs _section_cstart, $3  }
0xc0: {  	[dreg:$0x1] =	wrdreg $0xFFFFFFFF  }
0xc1: {  	_ =	task.clear_ibuf [dreg:s6], $0x2FFFF;
	_ =	strace $0x9FFFFFFF  }
0xc2: {  	(tm) =	ssettm $0x7FFFFFFF  }
0xc3: {  	_ =	shalt  }
tec
execute0_lowered:
.L_overlay_start_1:
0x0: {  	(tag) =	ssettag $0x1  }
0x1: {  	s0 =	srdreg.scid;
	s6 =	rddreg [dreg:$0x0]  }
0x2: {  	s2 =	rddreg [dreg:$0x1];
	s3 =	simm.s32 $0x0;
	s14 =	simm.s32 $0x80  }
0x3: {  	s15 =	simm.s32 $0x5000;
	s5 =	sand.u32 $0x1, s0;
	s0 =	stileid.u32  }
0x4: {  	s16 =	simm.s32 $0x1;
	s17 =	simm.s32 $0x0;
	s8 =	smul.u32 $0x13C00, s0  }
0x5: {  	[smem:$0x7FF] =	sst s3;
	s1 =	sshll.u32 s5, $0x4;
	s9 =	smul.u32 $0x13C000, s5  }
0x6: {  	s5 =	ssub.s32 $0x2, s5;
	s29 =	smul.u32 $0x4F000, s0;
	s31 =	sshll.u32 s0, $0x6  }
0x7: {  	s4 =	sor.u32 s0, s1;
	s1 =	rddreg [dreg:$0x2];
	_ =	strace $0x8000004D  }
0x8: {  	s11 =	sshrl.u32 s5, $0x1;
	s7 =	smul.u32 $0x500, s4;
	s4 =	sadd.s32 $0x34800, s6  }
0x9: {  	s28 =	sshrl.u32 s8, $0x3;
	s8 =	sadd.s32 s8, s9;
	s30 =	sshrl.u32 s29, $0x2  }
0xa: {  	s11 =	ssub.s32 s5, s11;
	s8 =	sshrl.u32 s8, $0x3;
	s13 =	sadd.s32 s30, s2  }
0xb: {  	s10 =	sadd.s32 s7, s6;
	s7 =	sadd.s32 s28, s6;
	s12 =	sadd.s32 s8, s6  }
0xc: {  	s6 =	sor.u32 $0x1C02, s31;
	s5 =	sadd.s32 $0xD000, s7;
	s7 =	sadd.s32 $0x84000, s10  }
0xd: {  	s8 =	sadd.s32 $0x3000, s10;
	s9 =	sadd.s32 $0x8E000, s12;
	s10 =	smax.u32 s11, $0x1  }
0xe: {  	s11 =	sshrl.u32 s13, $0x3;
	s12 =	simm.s32 $0x2;
	s13 =	simm.s32 $0x2800  }
.LBB2_1:
0xf: {  	[spmem:s11], [sflag:s6] =	dma.local [hbm:s5], $0x2780  }
0x10: {  	_ =	swait.ge [sflag:s12], $0x2780  }
0x11: {  	[sflag:s12] =	ssyncset.done $0x0  }
0x12: {  	[sflag:s12] =	ssyncadd.s32 $0xFFFFD880  }
0x13: {  	[tilespmem:s3], [sflag:$0x2] =	stream.linear.gather [hbm4b:s7+s3], $0x2780, $0x38;
	[tilespmem:$0x1CC00] =	vst v63  }
0x14: {  	_ =	swait.ge [sflag:s12], $0x2780  }
0x15: {  	[sflag:s12] =	ssyncset.done $0x0  }
0x16: {  	[sflag:s12] =	ssyncadd.s32 $0xFFFFD880  }
0x17: {  	[tilespmem:s13], [sflag:$0x2] =	stream.linear.gather [hbm4b:s8+s3], $0x2780, $0x38;
	[tilespmem:$0x1CC00] =	vst v63  }
0x18: {  	_ =	swait.ge [sflag:s12], $0x2780  }
0x19: {  	[sflag:s12] =	ssyncset.done $0x0  }
0x1a: {  	[sflag:s12] =	ssyncadd.s32 $0xFFFFD880  }
0x1b: {  	s18 =	simm.s32 $0x0;
	[bflag:$0x0] =	sbarrier.arrive $0xFFFF  }
0x1c: {  	[tilespmem:s15], [sflag:$0x1] =	stream.indirect.gather [hbm4b:s4+s14], $0x80, s18, s14, $0xb8;
	[tilespmem:$0x1CC00] =	vst v63  }
0x1d: {  	_ =	swait.ge [sflag:s16], $0x4000  }
0x1e: {  	[sflag:s16] =	ssyncset.done $0x0  }
0x1f: {  	s31 =	simm.s32 $0x2800;
	[sflag:s16] =	ssyncadd.s32 $0xFFFFC000  }
0x20: {  	[spmem:s2] =	stream.indirect.scatter.add.f32 [tilespmem:s15], [sflag:$0x2], $0x80, s31, s14, $0xb8;
	[tilespmem:$0x1CC00] =	vst v63  }
0x21: {  	_ =	swait.ge [sflag:s12], $0x4000  }
0x22: {  	s19 =	simm.s32 $0x400;
	s18 =	simm.s32 $0x200;
	[sflag:s12] =	ssyncset.done $0x0  }
.LBB2_2:
0x23: {  	s20 =	sshra.s32 s18, $0x2  }
0x24: {  	[sflag:s12] =	ssyncadd.s32 $0xFFFFC000;
	s18 =	smov.u32 s19;
	s21 =	sadd.s32 $0x200, s19  }
0x25: {  	[tilespmem:s15], [sflag:$0x1] =	stream.indirect.gather [hbm4b:s4+s14], $0x80, s20, s14, $0xb8;
	[tilespmem:$0x1CC00] =	vst v63  }
0x26: {  	p0 =	sne.s32 s19, $0x9C00;
	_ =	swait.ge [sflag:s16], $0x4000  }
.Ltmp0:
0x27: {  	[sflag:s16] =	ssyncset.done $0x0;
	(pc) =	sbr.rel @p0 .LBB2_2-.Ltmp0, $4  }
0x28: {  	s19 =	sadd.s32 $0x2800, s20;
	[sflag:s16] =	ssyncadd.s32 $0xFFFFC000  }
0x29: {  	[spmem:s2] =	stream.indirect.scatter.add.f32 [tilespmem:s15], [sflag:$0x2], $0x80, s19, s14, $0xb8;
	[tilespmem:$0x1CC00] =	vst v63  }
0x2a: {  	_ =	swait.ge [sflag:s12], $0x4000  }
0x2b: {  	s19 =	smov.u32 s21;
	[sflag:s12] =	ssyncset.done $0x0  }
0x2c: {  	s18 =	sshra.s32 s18, $0x2;
	[sflag:s12] =	ssyncadd.s32 $0xFFFFC000  }
0x2d: {  	[tilespmem:s15], [sflag:$0x1] =	stream.indirect.gather [hbm4b:s4+s14], $0x80, s18, s14, $0xb8;
	[tilespmem:$0x1CC00] =	vst v63  }
0x2e: {  	_ =	swait.ge [sflag:s16], $0x4000  }
0x2f: {  	[sflag:s16] =	ssyncset.done $0x0  }
0x30: {  	s18 =	sadd.s32 $0x2800, s18;
	[sflag:s16] =	ssyncadd.s32 $0xFFFFC000  }
0x31: {  	[spmem:s2] =	stream.indirect.scatter.add.f32 [tilespmem:s15], [sflag:$0x2], $0x80, s18, s14, $0xb8;
	[tilespmem:$0x1CC00] =	vst v63  }
0x32: {  	_ =	swait.ge [sflag:s12], $0x4000  }
0x33: {  	s17 =	sadd.s32 $0x1, s17;
	[sflag:s12] =	ssyncset.done $0x0  }
0x34: {  	p0 =	sne.s32 s17, s10;
	[sflag:s12] =	ssyncadd.s32 $0xFFFFC000  }
.Ltmp1:
0x35: {  	[bflag:$0x0] =	sbarrier.arrive $0xFFFF;
	(pc) =	sbr.rel @p0 .LBB2_1-.Ltmp1, $4  }
0x36: {  	[hbm:s9], [sflag:s6] =	dma.local [spmem:s11], $0x2780  }
0x37: {  	_ =	swait.ge [sflag:s12], $0x2780  }
0x38: {  	[sflag:s12] =	ssyncset.done $0x0  }
0x39: {  	[sflag:s12] =	ssyncadd.s32 $0xFFFFD880  }
0x3a: {  	_ =	sfence.sel $0x180000  }
0x3b: {  	[bflag:$0x0] =	sbarrier.arrive $0xFFFF  }
0x3c: {  	p0 =	sne.s32 s0, $0x0;
	_ =	strace $0x9000004D  }
0x3d: {  	s0 =	sadd.s32 @!p0 $0x100000, s1;
	[bflag:$0x2] =	sbarrier.arrive $0xFFFF  }
0x3e: {  	[sflag:s0] =	ssyncadd.tile.s32 @!p0 $0x1;
	_ =	shalt  }
.Lfunc_end2:
_tile_overlayer_lowered:
.L_overlay_start_2:
0x3f: {  	(tag) =	ssettag $0x2  }
0x40: {  	s0 =	rddreg [dreg:$0x0];
	s2 =	stileid.u32  }
0x41: {  	s1 =	rddreg [dreg:$0x1];
	p0 =	sne.s32 s2, $0x0  }
0x42: {  	s3 =	rddreg [dreg:$0x2];
	[bflag:$0x3] =	sbarrier.arrive $0xFFFF;
	s2 =	simm.s32 @!p0 $0x1C02  }
0x43: {  	[timem:s3], [sflag:s2] =	dma.local @!p0 [hbm:s0], s1  }
0x44: {  	s0 =	simm.s32 @!p0 $0x2  }
0x45: {  	_ =	swait.ge @!p0 [sflag:s0], s1  }
0x46: {  	s1 =	ssub.s32 @!p0 $0x0, s1;
	[sflag:s0] =	ssyncset.done @!p0 $0x0  }
0x47: {  	[sflag:s0] =	ssyncadd.s32 @!p0 s1  }
0x48: {  	[bflag:$0x3] =	sbarrier.arrive $0xFFFF  }
0x49: {  	_ =	shalt  }

// kernel: kernel.8.cloned.1.call-start
scs
__scs_entry_jumppad:
0x0: {  	(pc) =	sbr.rel $0x88, $3  }
0x1: {  	(tag) =	ssettag $0x0;
	lr =	simm.s32 $0x1  }
0x2: {  	[smem:$0x3F97] =	sst lr;
	_ =	strace $0xD0000000  }
0x3: {  	_ = 	snop  }
0x4: {  	_ = 	snop  }
0x5: {  	_ = 	snop  }
0x6: {  	_ = 	snop  }
0x7: {  	_ = 	snop  }
__scs_overlays_trampoline_lowered:
0x8: {  	[smem:$0x3FA6] =	sst s0  }
0x9: {  	[smem:$0x3FA7] =	sst s1  }
0xa: {  	[smem:$0x3FA8] =	sst s2  }
0xb: {  	[smem:$0x3FA9] =	sst s3  }
0xc: {  	[smem:$0x3FAA] =	sst s4  }
0xd: {  	[smem:$0x3FAB] =	sst s5  }
0xe: {  	[smem:$0x3FAC] =	sst s6  }
0xf: {  	[smem:$0x3FAD] =	sst s7  }
0x10: {  	[smem:$0x3FAE] =	sst s8  }
0x11: {  	[smem:$0x3FAF] =	sst s9;
	s0 =	simm.s32 @!p0 $0x0  }
0x12: {  	s1 =	sld [smem:$0x3F95];
	s0 =	simm.s32 @p0 $0x1  }
0x13: {  	[smem:$0x3FB0] =	sst s0;
	s0 =	simm.s32 @!p1 $0x0  }
0x14: {  	s2 =	sld [smem:$0x3F94];
	s0 =	simm.s32 @p1 $0x1  }
0x15: {  	[smem:$0x3FB1] =	sst s0;
	s0 =	simm.s32 @!p2 $0x0  }
0x16: {  	s3 =	sld [smem:$0x3FDB];
	s0 =	simm.s32 @p2 $0x1  }
0x17: {  	s4 =	simm.s32 $0x1BF5;
	[smem:$0x3FB3] =	sst s0  }
0x18: {  	s0 =	sld [smem:$0x3F96];
	_ =	swait.ge [sflag:s4], $0x0  }
0x19: {  	s7 =	sld [smem:$0x3F97]  }
0x1a: {  	s8 =	sadd.s32 $0xFFFFE003, lr  }
0x1b: {  	s9 =	sadd.s32 $0xFFFFFEF7, lr;
	s5 =	simm.s32 $0xFFFFFFFF;
	p2 =	slt.u32 s8, $0xFFFFF086  }
0x1c: {  	p1 =	slt.u32 s9, $0xF7A;
	s5 =	simm.s32 @!p2 $0x0  }
0x1d: {  	s5 =	simm.s32 @p1 $0x1;
	p0 =	seq.s32 s7, s2  }
0x1e: {  	s7 =	smul.u32 @!p0 $0xF7A, s2;
	p2 =	seq.s32 @!p0 s5, $0x0  }
0x1f: {  	s9 =	smul.u32 $0xF7A, s1;
	s8 =	simm.s32 @!p0 $0x1BF5;
	p2 =	por !p2, p0  }
0x20: {  	[sflag:s8] =	ssyncset.s32 @!p0 $0xFFFFF086;
	s6 =	sadd.s32 @!p0 s3, s7;
	s7 =	simm.s32 @!p0 $0x108  }
0x21: {  	s3 =	sadd.s32 s3, s9;
	s6 =	sadd.s32 @!p0 $0x88, s6;
	s7 =	simm.s32 @p2 $0x1082  }
0x22: {  	[simem:s7], [sflag:s8] =	dma.local @!p0 [hbm:s6], $0xF7A  }
0x23: {  	s9 =	sor.u32 $0xD0000000, s2;
	s6 =	simm.s32 $0x108;
	_ =	swait.ge @!p0 [sflag:s8], $0x0  }
0x24: {  	s3 =	sadd.s32 $0x88, s3;
	s6 =	simm.s32 @!p1 $0x1082;
	[sflag:s4] =	ssyncset.s32 $0xFFFFF086  }
0x25: {  	[simem:s6], [sflag:s4] =	dma.local [hbm:s3], $0xF7A  }
0x26: {  	[smem:$0x3F97] =	sst s1;
	(tag) =	ssettag s2;
	_ =	strace s9  }
0x27: {  	s1 =	sld [smem:$0x3FA7]  }
0x28: {  	s2 =	sld [smem:$0x3FA8]  }
0x29: {  	s4 =	sld [smem:$0x3FAA]  }
0x2a: {  	p0 =	seq.s32 s5, $0x0;
	s5 =	sld [smem:$0x3FAB]  }
0x2b: {  	s6 =	sld [smem:$0x3FAC]  }
0x2c: {  	s7 =	sld [smem:$0x3FAD]  }
0x2d: {  	s3 =	simm.s32 $0x108;
	s8 =	sld [smem:$0x3FAE]  }
0x2e: {  	s3 =	simm.s32 @!p0 $0x1082;
	s9 =	sld [smem:$0x3FAF]  }
0x2f: {  	lr =	sadd.s32 s0, s3;
	s0 =	sld [smem:$0x3FA6]  }
0x30: {  	s3 =	sld [smem:$0x3FA9]  }
0x31: {  	[smem:$0x3FB2] =	sst s10  }
0x32: {  	s10 =	sld [smem:$0x3FB0];
	_ =	sdelay $0x3  }
0x33: {  	p0 =	seq.s32 s10, $0x1;
	s10 =	sld [smem:$0x3FB2];
	_ =	sdelay $0x3  }
0x34: {  	[smem:$0x3FB2] =	sst s10  }
0x35: {  	s10 =	sld [smem:$0x3FB1];
	_ =	sdelay $0x3  }
0x36: {  	p1 =	seq.s32 s10, $0x1;
	s10 =	sld [smem:$0x3FB2];
	_ =	sdelay $0x3  }
0x37: {  	[smem:$0x3FB2] =	sst s10  }
0x38: {  	s10 =	sld [smem:$0x3FB3]  }
0x39: {  	_ = 	snop;
	(pc) =	sbr.ind lr, $3  }
0x3a: {  	_ = 	snop  }
0x3b: {  	_ = 	snop  }
0x3c: {  	p2 =	seq.s32 s10, $0x1;
	s10 =	sld [smem:$0x3FB2]  }
0x3d: {  	_ =	shalt  }
0x3e: {  	_ =	shalt  }
0x3f: {  	_ =	shalt  }
0x40: {  	_ =	shalt  }
0x41: {  	_ =	shalt  }
0x42: {  	_ =	shalt  }
0x43: {  	_ =	shalt  }
0x44: {  	_ =	shalt  }
0x45: {  	_ =	shalt  }
0x46: {  	_ =	shalt  }
0x47: {  	_ =	shalt  }
0x48: {  	_ =	shalt  }
0x49: {  	_ =	shalt  }
0x4a: {  	_ =	shalt  }
0x4b: {  	_ =	shalt  }
0x4c: {  	_ =	shalt  }
0x4d: {  	_ =	shalt  }
0x4e: {  	_ =	shalt  }
0x4f: {  	_ =	shalt  }
0x50: {  	_ =	shalt  }
0x51: {  	_ =	shalt  }
0x52: {  	_ =	shalt  }
0x53: {  	_ =	shalt  }
0x54: {  	_ =	shalt  }
0x55: {  	_ =	shalt  }
0x56: {  	_ =	shalt  }
0x57: {  	_ =	shalt  }
0x58: {  	_ =	shalt  }
0x59: {  	_ =	shalt  }
0x5a: {  	_ =	shalt  }
0x5b: {  	_ =	shalt  }
0x5c: {  	_ =	shalt  }
0x5d: {  	_ =	shalt  }
0x5e: {  	_ =	shalt  }
0x5f: {  	_ =	shalt  }
0x60: {  	_ =	shalt  }
0x61: {  	_ =	shalt  }
0x62: {  	_ =	shalt  }
0x63: {  	_ =	shalt  }
0x64: {  	_ =	shalt  }
0x65: {  	_ =	shalt  }
0x66: {  	_ =	shalt  }
0x67: {  	_ =	shalt  }
0x68: {  	_ =	shalt  }
0x69: {  	_ =	shalt  }
0x6a: {  	_ =	shalt  }
0x6b: {  	_ =	shalt  }
0x6c: {  	_ =	shalt  }
0x6d: {  	_ =	shalt  }
0x6e: {  	_ =	shalt  }
0x6f: {  	_ =	shalt  }
0x70: {  	_ =	shalt  }
0x71: {  	_ =	shalt  }
0x72: {  	_ =	shalt  }
0x73: {  	_ =	shalt  }
0x74: {  	_ =	shalt  }
0x75: {  	_ =	shalt  }
0x76: {  	_ =	shalt  }
0x77: {  	_ =	shalt  }
0x78: {  	_ =	shalt  }
0x79: {  	_ =	shalt  }
0x7a: {  	_ =	shalt  }
0x7b: {  	_ =	shalt  }
0x7c: {  	_ =	shalt  }
0x7d: {  	_ =	shalt  }
0x7e: {  	_ =	shalt  }
0x7f: {  	_ =	shalt  }
0x80: {  	_ =	shalt  }
0x81: {  	_ =	shalt  }
0x82: {  	_ =	shalt  }
0x83: {  	_ =	shalt  }
0x84: {  	_ =	shalt  }
0x85: {  	_ =	shalt  }
0x86: {  	_ =	shalt  }
0x87: {  	_ =	shalt  }
.Lfunc_end0:
.L_simem_size_0:
called_computation_lowered:
.L_overlay_start_0:
0x88: {  	s2 =	sld [smem:$0x3FD9]  }
0x89: {  	s3 =	sld [smem:$0x3FFE];
	_ =	sdelay $0x1  }
0x8a: {  	s1 =	srdreg.scid  }
0x8b: {  	s0 =	sand.u32 $0x1, s1  }
0x8c: {  	s16 =	sshll.u32 s0, $0xA;
	s2 =	sadd.s32 s3, s2  }
0x8d: {  	s2 =	sadd.s32 s2, s16  }
0x8e: {  	[smem:$0x3FBE] =	sst s2  }
0x8f: {  	_ = 	snop  }
0x90: {  	(tm) =	ssettm $0x1  }
0x91: {  	s17 =	sld [smem:$0x3FFB];
	_ =	sdelay $0x3  }
0x92: {  	_ =	strace s17  }
0x93: {  	s2 =	sld [smem:$0x3FFC];
	_ =	sdelay $0x3  }
0x94: {  	_ =	strace s2  }
0x95: {  	s2 =	sld [smem:$0x3FFD];
	_ =	sdelay $0x3  }
0x96: {  	_ =	strace s2  }
0x97: {  	_ =	strace $0x8FFFFFFF  }
0x98: {  	s18 =	sld [smem:$0x3FDB];
	_ =	sdelay $0x1  }
0x99: {  	s19 =	simm.s32 $_scs_section_size  }
0x9a: {  	s4 =	simm.s32 $_size__tile_overlayer_lowered;
	s5 =	simm.s32 $_tile_overlayer_lowered  }
0x9b: {  	s22 =	simm.s32 $0x1BFF;
	s21 =	sshll.u32 s5, $0x1;
	s2 =	sadd.s32 s19, s18  }
0x9c: {  	s6 =	simm.s32 $0x0;
	s20 =	sshll.u32 s4, $0x1;
	s4 =	sadd.s32 s21, s2  }
0x9d: {  	[timem:s6], [sflag:s22] =	dma.local [hbm:s4], s20  }
0x9e: {  	_ =	swait.ge [sflag:s22], s20  }
0x9f: {  	s3 =	ssub.s32 $0x0, s20;
	[sflag:s22] =	ssyncset.done $0x0  }
0xa0: {  	[sflag:s22] =	ssyncadd.s32 s3;
	_ =	sdelay $0x1  }
0xa1: {  	s23 =	simm.s32 $0x1B8B  }
0xa2: {  	_ =	swait.ge [sflag:s23], $0x1  }
0xa3: {  	[sflag:s23] =	ssyncset.done $0x0  }
0xa4: {  	s25 =	simm.s32 $0x1B8E;
	s24 =	sld [smem:$0x3FFE];
	[sflag:s23] =	ssyncadd.s32 $0xFFFFFFFF  }
0xa5: {  	s26 =	simm.s32 $execute0_lowered;
	[smem:$0x3FD2] =	sst s25  }
0xa6: {  	s4 =	sshll.u32 s26, $0x1;
	_ =	strace $0x80000046;
	[dreg:$0x1] =	wrdreg $0xFFFFFFFF  }
0xa7: {  	s28 =	simm.s32 $_size_execute0_lowered;
	s2 =	sadd.s32 s2, s4;
	[dreg:$0x0] =	wrdreg $0x0  }
0xa8: {  	s4 =	sshll.u32 s28, $0x1;
	[dreg:$0x2] =	wrdreg s2  }
0xa9: {  	[dreg:$0x3] =	wrdreg s4  }
0xaa: {  	[dreg:$0x4] =	wrdreg $0xC0  }
0xab: {  	_ =	task [dreg:s6], $0x5FFFF  }
0xac: {  	[dreg:$0x1] =	wrdreg $0xFFFFFFFF  }
0xad: {  	[dreg:$0x0] =	wrdreg $0x60  }
0xae: {  	[dreg:$0x2] =	wrdreg s24  }
0xaf: {  	[dreg:$0x3] =	wrdreg $0x68000  }
0xb0: {  	[dreg:$0x4] =	wrdreg $0x9  }
0xb1: {  	_ =	task.clear_ibuf [dreg:s6], $0x5FFFF;
	_ =	strace $0x90000046  }
0xb2: {  	s29 =	simm.s32 $0x9;
	_ =	strace $0x80000048  }
0xb3: {  	_ =	swait.ge [sflag:s29], $0x1  }
0xb4: {  	[sflag:s29] =	ssyncadd.s32 $0xFFFFFFFF  }
0xb5: {  	_ =	strace $0x90000048  }
0xb6: {  	_ =	sfence  }
0xb7: {  	s30 =	sld [smem:$0x0];
	_ =	sdelay $0x2  }
0xb8: {  	s31 =	sshll.u32 s1, $0xD;
	s1 =	sshrl.u32 s1, $0x2  }
0xb9: {  	s3 =	sand.u32 $0x4000, s31;
	s1 =	sadd.s32 s1, s30  }
0xba: {  	s0 =	sor.u32 s3, s0;
	s1 =	sshll.u32 s1, $0x11  }
0xbb: {  	s0 =	sor.u32 s1, s0  }
0xbc: {  	s0 =	sadd.s32 $0x8F2B, s0  }
0xbd: {  	[sflag:s0] =	ssyncadd.remote.s32 $0x1  }
0xbe: {  	_ =	sfence.sel $0xFFFF  }
0xbf: {  	[dreg:$0x0] =	wrdreg $0xFFFFFFFF;
	(pc) =	sbr.abs _section_cstart, $3  }
0xc0: {  	[dreg:$0x1] =	wrdreg $0xFFFFFFFF  }
0xc1: {  	_ =	task.clear_ibuf [dreg:s6], $0x2FFFF;
	_ =	strace $0x9FFFFFFF  }
0xc2: {  	(tm) =	ssettm $0x7FFFFFFF  }
0xc3: {  	_ =	shalt  }
tec
execute0_lowered:
.L_overlay_start_1:
0x0: {  	(tag) =	ssettag $0x1  }
0x1: {  	s0 =	srdreg.scid;
	s6 =	rddreg [dreg:$0x0]  }
0x2: {  	s2 =	rddreg [dreg:$0x1];
	s5 =	sand.u32 $0x1, s0;
	s0 =	stileid.u32  }
0x3: {  	s3 =	simm.s32 $0x0;
	s14 =	simm.s32 $0x0;
	s7 =	smul.u32 $0x13C00, s0  }
0x4: {  	[smem:$0x7FF] =	sst s3;
	s1 =	sshll.u32 s5, $0x4;
	s8 =	smul.u32 $0x13C000, s5  }
0x5: {  	s5 =	ssub.s32 $0x2, s5;
	s29 =	smul.u32 $0x4F000, s0;
	s31 =	sshll.u32 s0, $0x6  }
0x6: {  	s4 =	sor.u32 s0, s1;
	s1 =	rddreg [dreg:$0x2];
	_ =	strace $0x80000047  }
0x7: {  	s11 =	sshrl.u32 s5, $0x1;
	s4 =	smul.u32 $0x500, s4;
	s10 =	sshrl.u32 s7, $0x3  }
0x8: {  	s7 =	sadd.s32 s7, s8;
	s11 =	ssub.s32 s5, s11;
	s30 =	sshrl.u32 s29, $0x2  }
0x9: {  	s10 =	sadd.s32 s10, s6;
	s7 =	sshrl.u32 s7, $0x3;
	s13 =	sadd.s32 s30, s2  }
0xa: {  	s9 =	sadd.s32 s4, s6;
	s4 =	sadd.s32 $0x34800, s6;
	s12 =	sadd.s32 s7, s6  }
0xb: {  	s5 =	sadd.s32 $0xD000, s10;
	s6 =	sor.u32 $0x1C01, s31;
	s10 =	sshrl.u32 s13, $0x3  }
0xc: {  	s13 =	simm.s32 $0x80;
	s7 =	sadd.s32 $0x3000, s9;
	s8 =	sadd.s32 $0x35000, s12  }
0xd: {  	s9 =	smax.u32 s11, $0x1;
	s11 =	simm.s32 $0x1;
	s12 =	simm.s32 $0x2800  }
.LBB2_1:
0xe: {  	[spmem:s10], [sflag:s6] =	dma.local [hbm:s5], $0x2780  }
0xf: {  	_ =	swait.ge [sflag:s11], $0x2780  }
0x10: {  	[sflag:s11] =	ssyncset.done $0x0  }
0x11: {  	[sflag:s11] =	ssyncadd.s32 $0xFFFFD880  }
0x12: {  	[tilespmem:s12], [sflag:$0x1] =	stream.linear.gather [hbm4b:s4+s3], $0x4000, $0x38;
	[tilespmem:$0x1A400] =	vst v63  }
0x13: {  	_ =	swait.ge [sflag:s11], $0x4000  }
0x14: {  	[sflag:s11] =	ssyncset.done $0x0  }
0x15: {  	[sflag:s11] =	ssyncadd.s32 $0xFFFFC000  }
0x16: {  	[tilespmem:s3], [sflag:$0x1] =	stream.linear.gather [hbm4b:s7+s3], $0x2780, $0x38;
	[tilespmem:$0x1A400] =	vst v63  }
0x17: {  	_ =	swait.ge [sflag:s11], $0x2780  }
0x18: {  	[sflag:s11] =	ssyncset.done $0x0  }
0x19: {  	[sflag:s11] =	ssyncadd.s32 $0xFFFFD880  }
0x1a: {  	s15 =	simm.s32 $0x0;
	[bflag:$0x0] =	sbarrier.arrive $0xFFFF  }
0x1b: {  	[spmem:s2] =	stream.indirect.scatter.add.f32 [tilespmem:s12], [sflag:$0x1], $0x80, s15, s13, $0xb8;
	[tilespmem:$0x1A400] =	vst v63  }
0x1c: {  	_ =	swait.ge [sflag:s11], $0x4000  }
0x1d: {  	s15 =	simm.s32 $0x200;
	[sflag:s11] =	ssyncset.done $0x0  }
.LBB2_2:
0x1e: {  	s16 =	sshra.s32 s15, $0x2;
	[sflag:s11] =	ssyncadd.s32 $0xFFFFC000;
	p0 =	sne.s32 s15, $0x9C00  }
0x1f: {  	[spmem:s2] =	stream.indirect.scatter.add.f32 [tilespmem:s12], [sflag:$0x1], $0x80, s16, s13, $0xb8;
	[tilespmem:$0x1A400] =	vst v63  }
.Ltmp0:
0x20: {  	_ = 	snop;
	(pc) =	sbr.rel @p0 .LBB2_2-.Ltmp0, $4  }
0x21: {  	_ = 	snop  }
0x22: {  	s15 =	sadd.s32 $0x200, s15  }
0x23: {  	_ =	swait.ge [sflag:s11], $0x4000  }
0x24: {  	[sflag:s11] =	ssyncset.done $0x0  }
0x25: {  	s14 =	sadd.s32 $0x1, s14  }
0x26: {  	[sflag:s11] =	ssyncadd.s32 $0xFFFFC000;
	p0 =	sne.s32 s14, s9  }
.Ltmp1:
0x27: {  	[bflag:$0x0] =	sbarrier.arrive $0xFFFF;
	(pc) =	sbr.rel @p0 .LBB2_1-.Ltmp1, $4  }
0x28: {  	[hbm:s8], [sflag:s6] =	dma.local [spmem:s10], $0x2780  }
0x29: {  	_ =	swait.ge [sflag:s11], $0x2780  }
0x2a: {  	[sflag:s11] =	ssyncset.done $0x0  }
0x2b: {  	[sflag:s11] =	ssyncadd.s32 $0xFFFFD880  }
0x2c: {  	_ =	sfence.sel $0x180000  }
0x2d: {  	[bflag:$0x0] =	sbarrier.arrive $0xFFFF  }
0x2e: {  	p0 =	sne.s32 s0, $0x0;
	_ =	strace $0x90000047  }
0x2f: {  	s0 =	sadd.s32 @!p0 $0x100000, s1;
	[bflag:$0x2] =	sbarrier.arrive $0xFFFF  }
0x30: {  	[sflag:s0] =	ssyncadd.tile.s32 @!p0 $0x1;
	_ =	shalt  }
.Lfunc_end2:
_tile_overlayer_lowered:
.L_overlay_start_2:
0x31: {  	(tag) =	ssettag $0x2  }
0x32: {  	s0 =	rddreg [dreg:$0x0];
	s2 =	stileid.u32  }
0x33: {  	s1 =	rddreg [dreg:$0x1];
	p0 =	sne.s32 s2, $0x0  }
0x34: {  	s3 =	rddreg [dreg:$0x2];
	[bflag:$0x3] =	sbarrier.arrive $0xFFFF;
	s2 =	simm.s32 @!p0 $0x1C01  }
0x35: {  	[timem:s3], [sflag:s2] =	dma.local @!p0 [hbm:s0], s1  }
0x36: {  	s0 =	simm.s32 @!p0 $0x1  }
0x37: {  	_ =	swait.ge @!p0 [sflag:s0], s1  }
0x38: {  	s1 =	ssub.s32 @!p0 $0x0, s1;
	[sflag:s0] =	ssyncset.done @!p0 $0x0  }
0x39: {  	[sflag:s0] =	ssyncadd.s32 @!p0 s1  }
0x3a: {  	[bflag:$0x3] =	sbarrier.arrive $0xFFFF  }
0x3b: {  	_ =	shalt  }

</sc_bundles>
